<compile_context>
chip_gen: v7x
topology: tpu7x:2x2x1
jax: 0.10.2.dev20260603
libtpu: 0.0.44.dev20260713+nightly
codegen_flags: <defaults>
</compile_context>

<pallas_src>
import functools

import jax
import jax.numpy as jnp
from jax import lax
from jax.experimental import pallas as pl
from jax.experimental.pallas import tpu as pltpu
from jax.experimental.pallas import tpu_sc as plsc

EMBD = 128
SEQ = 50
LANES = 16
NCORES = 2
NSUB = 16
NW = NCORES * NSUB
G2 = EMBD // (2 * LANES)
WPR = EMBD // 2
RBIAS = 0x8000
HIMASK = -65536


def _sc_pool(emb, idx_flat, n_samples):
    vocab = emb.shape[0]
    per_w = n_samples // NW
    CH = 16
    PAIRS = per_w // (2 * CH)
    UN = 5
    mesh = plsc.VectorSubcoreMesh(core_axis_name="c", subcore_axis_name="s")

    @functools.partial(
        pl.kernel,
        mesh=mesh,
        out_type=jax.ShapeDtypeStruct((n_samples, EMBD), jnp.float32),
        scratch_types=[
            pltpu.VMEM((per_w * SEQ,), jnp.int32),
            pltpu.VMEM((CH * SEQ, WPR), jnp.int32),
            pltpu.VMEM((CH * SEQ, WPR), jnp.int32),
            pltpu.VMEM((CH, EMBD), jnp.float32),
            pltpu.VMEM((CH, EMBD), jnp.float32),
            pltpu.SemaphoreType.DMA,
            pltpu.SemaphoreType.DMA,
            pltpu.SemaphoreType.DMA,
            pltpu.SemaphoreType.DMA,
        ],
        compiler_params=pltpu.CompilerParams(use_tc_tiling_on_sc=False),
    )
    def pool_kernel(embp_hbm, idxa_hbm, idxb_hbm, out_hbm,
                    idx_v, rows0, rows1,
                    acc0, acc1, g0, g1, o0, o1):
        cid = lax.axis_index("c")
        sid = lax.axis_index("s")
        base = cid * (NSUB * per_w) + sid * per_w

        @pl.when(cid == 0)
        def _():
            pltpu.sync_copy(
                idxa_hbm.at[pl.ds(sid * per_w * SEQ, per_w * SEQ)], idx_v)

        @pl.when(cid == 1)
        def _():
            pltpu.sync_copy(
                idxb_hbm.at[pl.ds(sid * per_w * SEQ, per_w * SEQ)], idx_v)


        def pool_all(embc):
            def start_gather(c, rows, sem):
                pltpu.async_copy(
                    embc.at[idx_v.at[pl.ds(c * (CH * SEQ), CH * SEQ)]],
                    rows, sem)

            def wait_gather(rows, sem):
                pltpu.make_async_copy(
                    embc.at[idx_v.at[pl.ds(0, CH * SEQ)]], rows, sem).wait()

            def start_out(c, acc, sem):
                pltpu.async_copy(acc, out_hbm.at[pl.ds(base + c * CH, CH)],
                                 sem)

            def wait_out(acc, sem):
                pltpu.make_async_copy(acc, out_hbm.at[pl.ds(base, CH)],
                                      sem).wait()

            def accumulate(rows, acc):
                def sbody(s, carry):
                    r = s * SEQ

                    def jbody(j, accs):
                        r0 = r + UN * j
                        new = list(accs)
                        for u in range(UN):
                            for g in range(G2):
                                w = rows[r0 + u, pl.ds(g * LANES, LANES)]
                                even = lax.bitcast_convert_type(
                                    w << 16, jnp.float32)
                                odd = lax.bitcast_convert_type(
                                    w & HIMASK, jnp.float32)
                                new[2 * g] = new[2 * g] + even
                                new[2 * g + 1] = new[2 * g + 1] + odd
                        return tuple(new)

                    accs = tuple(jnp.zeros((LANES,), jnp.float32)
                                 for _ in range(2 * G2))
                    accs = lax.fori_loop(0, SEQ // UN, jbody, accs)
                    for g in range(G2):
                        acc[s, pl.ds(32 * g, LANES)] = accs[2 * g]
                        acc[s, pl.ds(32 * g + LANES, LANES)] = accs[2 * g + 1]
                    return carry

                lax.fori_loop(0, CH, sbody, 0)

            start_gather(0, rows0, g0)

            def pair(k, carry):
                c0 = 2 * k
                wait_gather(rows0, g0)
                start_gather(c0 + 1, rows1, g1)

                @pl.when(k > 0)
                def _():
                    wait_out(acc0, o0)

                accumulate(rows0, acc0)
                start_out(c0, acc0, o0)
                wait_gather(rows1, g1)

                @pl.when(k < PAIRS - 1)
                def _():
                    start_gather(c0 + 2, rows0, g0)

                @pl.when(k > 0)
                def _():
                    wait_out(acc1, o1)

                accumulate(rows1, acc1)
                start_out(c0 + 1, acc1, o1)
                return carry

            lax.fori_loop(0, PAIRS, pair, 0)
            wait_out(acc0, o0)
            wait_out(acc1, o1)

        pool_all(embp_hbm)

    return pool_kernel(emb, idx_flat[0], idx_flat[1])


def _tc_pack(emb2):
    half, width = emb2.shape

    def body(x_ref, out_ref):
        r = lax.bitcast_convert_type(x_ref[...], jnp.int32) + RBIAS
        words = []
        for h in range(2):
            for g in range(G2):
                c = 128 * h + 32 * g
                lo = lax.shift_right_logical(r[:, c:c + LANES], 16)
                hi = r[:, c + LANES:c + 2 * LANES] & HIMASK
                words.append(hi | lo)
        out_ref[...] = jnp.concatenate(words, axis=1)

    blk = 2648
    return pl.pallas_call(
        body,
        grid=((half + blk - 1) // blk,),
        in_specs=[pl.BlockSpec((blk, width), lambda i: (i, 0))],
        out_specs=pl.BlockSpec((blk, EMBD), lambda i: (i, 0)),
        out_shape=jax.ShapeDtypeStruct((half, EMBD), jnp.int32),
    )(emb2)


def _tc_mlp_cos(pooled, W1, b1, W2, b2, W3, b3, batch):
    TB = 512
    grid = batch // TB

    def body(ea_ref, eb_ref, w1, bb1, w2, bb2, w3, bb3, out_ref):
        def mlp(x):
            h = jnp.tanh(
                lax.dot_general(x, w1[...], (((1,), (1,)), ((), ())),
                                preferred_element_type=jnp.float32) + bb1[...])
            h = jnp.tanh(
                lax.dot_general(h, w2[...], (((1,), (1,)), ((), ())),
                                preferred_element_type=jnp.float32) + bb2[...])
            h = jnp.tanh(
                lax.dot_general(h, w3[...], (((1,), (1,)), ((), ())),
                                preferred_element_type=jnp.float32) + bb3[...])
            return h

        fa = mlp(ea_ref[...])
        fb = mlp(eb_ref[...])
        eps = 1e-8
        na = jnp.maximum(jnp.sqrt(jnp.sum(fa * fa, axis=1, keepdims=True)), eps)
        nb = jnp.maximum(jnp.sqrt(jnp.sum(fb * fb, axis=1, keepdims=True)), eps)
        dot = jnp.sum(fa * fb, axis=1, keepdims=True)
        out_ref[...] = dot / (na * nb)

    out = pl.pallas_call(
        body,
        grid=(grid,),
        in_specs=[
            pl.BlockSpec((TB, EMBD), lambda i: (i, 0)),
            pl.BlockSpec((TB, EMBD), lambda i: (i + grid, 0)),
            pl.BlockSpec(W1.shape, lambda i: (0, 0)),
            pl.BlockSpec((1, 256), lambda i: (0, 0)),
            pl.BlockSpec(W2.shape, lambda i: (0, 0)),
            pl.BlockSpec((1, 128), lambda i: (0, 0)),
            pl.BlockSpec(W3.shape, lambda i: (0, 0)),
            pl.BlockSpec((1, 64), lambda i: (0, 0)),
        ],
        out_specs=pl.BlockSpec((TB, 1), lambda i: (i, 0)),
        out_shape=jax.ShapeDtypeStruct((batch, 1), jnp.float32),
    )(pooled, pooled, W1, b1.reshape(1, -1), W2, b2.reshape(1, -1),
      W3, b3.reshape(1, -1))
    return out.reshape(-1)


def kernel(a, b, emb, W1, b1, W2, b2, W3, b3):
    batch = a.shape[0]
    af = a.astype(jnp.int32).reshape(-1)
    bf = b.astype(jnp.int32).reshape(-1)
    vocab = emb.shape[0]
    packed = _tc_pack(emb.reshape(vocab // 2, 2 * EMBD))
    embp = packed.reshape(vocab, WPR)
    pooled = _sc_pool(embp, (af, bf), 2 * batch)
    return _tc_mlp_cos(pooled, W1, b1, W2, b2, W3, b3, batch)

# --- scband reference (transcript-rebuilt; emitter-appended) ---
"""Pipeline reference for scband-dssm-17162689315029 (READ-ONLY COPY).

The authoritative reference and input builder live on the scoring server;
editing this copy changes nothing except your own understanding.
"""

import jax, jax.numpy as jnp
import numpy as np

CHAR_SIZE = 21128
EMB = 128

def setup_inputs(seed: int = 0) -> dict:
    key = jax.random.key(seed)
    ks = jax.random.split(key, 10)
    a = jax.random.randint(ks[0], (4096, 50), 0, CHAR_SIZE, dtype=jnp.int64 if jax.config.jax_enable_x64 else jnp.int32)
    b = jax.random.randint(ks[1], (4096, 50), 0, CHAR_SIZE, dtype=jnp.int64 if jax.config.jax_enable_x64 else jnp.int32)
    emb = jax.random.normal(ks[2], (CHAR_SIZE, EMB), dtype=jnp.float32) * 0.02
    W1 = jax.random.normal(ks[3], (256, EMB), dtype=jnp.float32) * (1.0 / np.sqrt(EMB))
    b1 = jnp.zeros((256,), dtype=jnp.float32)
    W2 = jax.random.normal(ks[4], (128, 256), dtype=jnp.float32) * (1.0 / np.sqrt(256))
    b2 = jnp.zeros((128,), dtype=jnp.float32)
    W3 = jax.random.normal(ks[5], (64, 128), dtype=jnp.float32) * (1.0 / np.sqrt(128))
    b3 = jnp.zeros((64,), dtype=jnp.float32)
    return {"a": a, "b": b, "emb": emb, "W1": W1, "b1": b1, "W2": W2, "b2": b2, "W3": W3, "b3": b3}

def reference(a, b, emb, W1, b1, W2, b2, W3, b3):
    # embedding lookup + sum over sequence dim (bag-of-chars)
    ea = jnp.take(emb, a, axis=0).sum(axis=1)
    eb = jnp.take(emb, b, axis=0).sum(axis=1)

    def mlp(x):
        h = jnp.tanh(x @ W1.T + b1)  # dropout is identity in eval
        h = jnp.tanh(h @ W2.T + b2)
        h = jnp.tanh(h @ W3.T + b3)
        return h

    fa = mlp(ea)
    fb = mlp(eb)
    eps = 1e-8
    na = jnp.maximum(jnp.sqrt(jnp.sum(fa * fa, axis=1)), eps)
    nb = jnp.maximum(jnp.sqrt(jnp.sum(fb * fb, axis=1)), eps)
    cosine = jnp.sum(fa * fb, axis=1) / (na * nb)
    return cosine

if __name__ == "__main__":
    import jax
    _d = setup_inputs()
    print(jax.jit(kernel)(*tuple(_d.values())))

</pallas_src>

<mosaic_0001>
#map = affine_map<(d0, d1) -> (0, 0)>
#map1 = affine_map<(d0, d1) -> (0)>
module attributes {stable_mosaic.version = 14 : i64} {
  func.func @pool_kernel(%arg0: i32, %arg1: i32, %arg2: memref<21128x64xi32, #tpu.memory_space<hbm>>, %arg3: memref<204800xi32, #tpu.memory_space<hbm>>, %arg4: memref<204800xi32, #tpu.memory_space<hbm>>, %arg5: memref<8192x128xf32, #tpu.memory_space<hbm>>, %arg6: memref<12800xi32, #tpu.memory_space<vmem>>, %arg7: memref<800x64xi32, #tpu.memory_space<vmem>>, %arg8: memref<800x64xi32, #tpu.memory_space<vmem>>, %arg9: memref<16x128xf32, #tpu.memory_space<vmem>>, %arg10: memref<16x128xf32, #tpu.memory_space<vmem>>, %arg11: memref<!tpu.dma_semaphore, #tpu.memory_space<semaphore_mem>>, %arg12: memref<!tpu.dma_semaphore, #tpu.memory_space<semaphore_mem>>, %arg13: memref<!tpu.dma_semaphore, #tpu.memory_space<semaphore_mem>>, %arg14: memref<!tpu.dma_semaphore, #tpu.memory_space<semaphore_mem>>) attributes {dimension_semantics = [#tpu.dimension_semantics<core_parallel>, #tpu.dimension_semantics<subcore_parallel>], iteration_bounds = array<i64: 2, 16>, scalar_prefetch = 0 : i64, scratch_operands = 9 : i64, tpu.core_type = #tpu.core_type<sc_vector_subcore>, window_params = [{transform_indices = #map}, {transform_indices = #map1}, {transform_indices = #map1}, {transform_indices = #map}]} {
    %mul3A = arith.constant 4096 : i32
    %mul3A_0 = arith.muli %arg0, %mul3A : i32
    %mul3A_1 = arith.constant 256 : i32
    %mul3A_2 = arith.muli %arg1, %mul3A_1 : i32
    %add3A = arith.addi %mul3A_0, %mul3A_2 : i32
    %eq3A = arith.constant 0 : i32
    %eq3A_3 = arith.cmpi eq, %arg0, %eq3A : i32
    %convert_element_type3A = arith.extui %eq3A_3 : i1 to i32
    %cond3A = arith.constant 0 : i32
    %cond3A_4 = arith.cmpi ne, %convert_element_type3A, %cond3A : i32
    scf.if %cond3A_4 {
      %mul3A_26 = arith.constant 256 : i32
      %mul3A_27 = arith.muli %arg1, %mul3A_26 : i32
      %mul3A_28 = arith.constant 50 : i32
      %mul3A_29 = arith.muli %mul3A_27, %mul3A_28 : i32
      "tpu.region"() ({
        %run_scoped3A = tpu.sem_alloc : memref<!tpu.dma_semaphore, #tpu.memory_space<semaphore_mem>>
        %dma_start3A_30 = tpu.memref_slice %arg3[%mul3A_29] : memref<204800xi32, #tpu.memory_space<hbm>> -> memref<12800xi32, #tpu.memory_space<hbm>>
        %dma_start3A_31 = tpu.memref_slice %arg3[%mul3A_29] : memref<204800xi32, #tpu.memory_space<hbm>> -> memref<12800xi32, #tpu.memory_space<hbm>>
        tpu.enqueue_dma source(%dma_start3A_31 : memref<12800xi32, #tpu.memory_space<hbm>>) target(%arg6 : memref<12800xi32, #tpu.memory_space<vmem>>) target_semaphore(%run_scoped3A : memref<!tpu.dma_semaphore, #tpu.memory_space<semaphore_mem>>)
        %dma_wait3A_32 = tpu.memref_slice %arg3[%mul3A_29] : memref<204800xi32, #tpu.memory_space<hbm>> -> memref<12800xi32, #tpu.memory_space<hbm>>
        %dma_wait3A_33 = tpu.memref_slice %arg3[%mul3A_29] : memref<204800xi32, #tpu.memory_space<hbm>> -> memref<12800xi32, #tpu.memory_space<hbm>>
        tpu.wait_dma2 semaphore(%run_scoped3A : memref<!tpu.dma_semaphore, #tpu.memory_space<semaphore_mem>>) src(%dma_wait3A_33 : memref<12800xi32, #tpu.memory_space<hbm>>) dst(%arg6 : memref<12800xi32, #tpu.memory_space<vmem>>)
        tpu.yield
      }) : () -> ()
    } else {
    }
    %eq3A_5 = arith.constant 1 : i32
    %eq3A_6 = arith.cmpi eq, %arg0, %eq3A_5 : i32
    %convert_element_type3A_7 = arith.extui %eq3A_6 : i1 to i32
    %cond3A_8 = arith.constant 0 : i32
    %cond3A_9 = arith.cmpi ne, %convert_element_type3A_7, %cond3A_8 : i32
    scf.if %cond3A_9 {
      %mul3A_26 = arith.constant 256 : i32
      %mul3A_27 = arith.muli %arg1, %mul3A_26 : i32
      %mul3A_28 = arith.constant 50 : i32
      %mul3A_29 = arith.muli %mul3A_27, %mul3A_28 : i32
      "tpu.region"() ({
        %run_scoped3A = tpu.sem_alloc : memref<!tpu.dma_semaphore, #tpu.memory_space<semaphore_mem>>
        %dma_start3A_30 = tpu.memref_slice %arg4[%mul3A_29] : memref<204800xi32, #tpu.memory_space<hbm>> -> memref<12800xi32, #tpu.memory_space<hbm>>
        %dma_start3A_31 = tpu.memref_slice %arg4[%mul3A_29] : memref<204800xi32, #tpu.memory_space<hbm>> -> memref<12800xi32, #tpu.memory_space<hbm>>
        tpu.enqueue_dma source(%dma_start3A_31 : memref<12800xi32, #tpu.memory_space<hbm>>) target(%arg6 : memref<12800xi32, #tpu.memory_space<vmem>>) target_semaphore(%run_scoped3A : memref<!tpu.dma_semaphore, #tpu.memory_space<semaphore_mem>>)
        %dma_wait3A_32 = tpu.memref_slice %arg4[%mul3A_29] : memref<204800xi32, #tpu.memory_space<hbm>> -> memref<12800xi32, #tpu.memory_space<hbm>>
        %dma_wait3A_33 = tpu.memref_slice %arg4[%mul3A_29] : memref<204800xi32, #tpu.memory_space<hbm>> -> memref<12800xi32, #tpu.memory_space<hbm>>
        tpu.wait_dma2 semaphore(%run_scoped3A : memref<!tpu.dma_semaphore, #tpu.memory_space<semaphore_mem>>) src(%dma_wait3A_33 : memref<12800xi32, #tpu.memory_space<hbm>>) dst(%arg6 : memref<12800xi32, #tpu.memory_space<vmem>>)
        tpu.yield
      }) : () -> ()
    } else {
    }
    %dma_start3A = arith.constant 0 : i32
    %dma_start3A_10 = tpu.memref_slice %arg6[%dma_start3A] : memref<12800xi32, #tpu.memory_space<vmem>> -> memref<800xi32, #tpu.memory_space<vmem>>
    %dma_start3A_11 = arith.constant 0 : i32
    %dma_start3A_12 = arith.constant 0 : i32
    %dma_start3A_13 = tpu.memref_slice %arg2[%dma_start3A_11, %dma_start3A_12] : memref<21128x64xi32, #tpu.memory_space<hbm>> -> memref<21128x64xi32, #tpu.memory_space<hbm>>
    tpu.enqueue_indirect_dma source(%dma_start3A_13 : memref<21128x64xi32, #tpu.memory_space<hbm>>) target(%arg7 : memref<800x64xi32, #tpu.memory_space<vmem>>) offsets(%dma_start3A_10 : memref<800xi32, #tpu.memory_space<vmem>>) semaphore(%arg11 : memref<!tpu.dma_semaphore, #tpu.memory_space<semaphore_mem>>)
    %scan3A = arith.constant 0 : i32
    %scan3A_14 = arith.constant 0 : i32
    %scan3A_15 = arith.constant 8 : i32
    %scan3A_16 = arith.addi %scan3A_14, %scan3A_15 : i32
    %scan3A_17 = arith.constant 1 : i32
    scf.for %scan3A_26 = %scan3A_14 to %scan3A_16 step %scan3A_17  : i32 {
      %mul3A_27 = arith.constant 2 : i32
      %mul3A_28 = arith.muli %mul3A_27, %scan3A_26 : i32
      %dma_wait3A_29 = arith.constant 0 : i32
      %dma_wait3A_30 = tpu.memref_slice %arg6[%dma_wait3A_29] : memref<12800xi32, #tpu.memory_space<vmem>> -> memref<800xi32, #tpu.memory_space<vmem>>
      %dma_wait3A_31 = arith.constant 0 : i32
      %dma_wait3A_32 = arith.constant 0 : i32
      %dma_wait3A_33 = tpu.memref_slice %arg2[%dma_wait3A_31, %dma_wait3A_32] : memref<21128x64xi32, #tpu.memory_space<hbm>> -> memref<21128x64xi32, #tpu.memory_space<hbm>>
      tpu.wait_indirect_dma semaphore(%arg11 : memref<!tpu.dma_semaphore, #tpu.memory_space<semaphore_mem>>) src(%dma_wait3A_33 : memref<21128x64xi32, #tpu.memory_space<hbm>>) dst(%arg7 : memref<800x64xi32, #tpu.memory_space<vmem>>)
      %add3A_34 = arith.constant 1 : i32
      %add3A_35 = arith.addi %mul3A_28, %add3A_34 : i32
      %mul3A_36 = arith.constant 800 : i32
      %mul3A_37 = arith.muli %add3A_35, %mul3A_36 : i32
      %dma_start3A_38 = tpu.memref_slice %arg6[%mul3A_37] : memref<12800xi32, #tpu.memory_space<vmem>> -> memref<800xi32, #tpu.memory_space<vmem>>
      %dma_start3A_39 = arith.constant 0 : i32
      %dma_start3A_40 = arith.constant 0 : i32
      %dma_start3A_41 = tpu.memref_slice %arg2[%dma_start3A_39, %dma_start3A_40] : memref<21128x64xi32, #tpu.memory_space<hbm>> -> memref<21128x64xi32, #tpu.memory_space<hbm>>
      tpu.enqueue_indirect_dma source(%dma_start3A_41 : memref<21128x64xi32, #tpu.memory_space<hbm>>) target(%arg8 : memref<800x64xi32, #tpu.memory_space<vmem>>) offsets(%dma_start3A_38 : memref<800xi32, #tpu.memory_space<vmem>>) semaphore(%arg12 : memref<!tpu.dma_semaphore, #tpu.memory_space<semaphore_mem>>)
      %gt3A = arith.constant 0 : i32
      %gt3A_42 = arith.cmpi sgt, %scan3A_26, %gt3A : i32
      %convert_element_type3A_43 = arith.extui %gt3A_42 : i1 to i32
      %cond3A_44 = arith.constant 0 : i32
      %cond3A_45 = arith.cmpi ne, %convert_element_type3A_43, %cond3A_44 : i32
      scf.if %cond3A_45 {
        %dma_wait3A_88 = arith.constant 0 : i32
        %dma_wait3A_89 = tpu.memref_slice %arg5[%add3A, %dma_wait3A_88] : memref<8192x128xf32, #tpu.memory_space<hbm>> -> memref<16x128xf32, #tpu.memory_space<hbm>>
        %dma_wait3A_90 = arith.constant 0 : i32
        %dma_wait3A_91 = tpu.memref_slice %arg5[%add3A, %dma_wait3A_90] : memref<8192x128xf32, #tpu.memory_space<hbm>> -> memref<16x128xf32, #tpu.memory_space<hbm>>
        tpu.wait_dma2 semaphore(%arg13 : memref<!tpu.dma_semaphore, #tpu.memory_space<semaphore_mem>>) src(%arg9 : memref<16x128xf32, #tpu.memory_space<vmem>>) dst(%dma_wait3A_91 : memref<16x128xf32, #tpu.memory_space<hbm>>)
      } else {
      }
      %scan3A_46 = arith.constant 0 : i32
      %scan3A_47 = arith.constant 0 : i32
      %scan3A_48 = arith.constant 16 : i32
      %scan3A_49 = arith.addi %scan3A_47, %scan3A_48 : i32
      %scan3A_50 = arith.constant 1 : i32
      scf.for %scan3A_88 = %scan3A_47 to %scan3A_49 step %scan3A_50  : i32 {
        %mul3A_89 = arith.constant 50 : i32
        %mul3A_90 = arith.muli %scan3A_88, %mul3A_89 : i32
        %broadcast_in_dim3A = arith.constant 0.000000e+00 : f32
        %broadcast_in_dim3A_91 = vector.broadcast %broadcast_in_dim3A : f32 to vector<16xf32>
        %broadcast_in_dim3A_92 = arith.constant 0.000000e+00 : f32
        %broadcast_in_dim3A_93 = vector.broadcast %broadcast_in_dim3A_92 : f32 to vector<16xf32>
        %broadcast_in_dim3A_94 = arith.constant 0.000000e+00 : f32
        %broadcast_in_dim3A_95 = vector.broadcast %broadcast_in_dim3A_94 : f32 to vector<16xf32>
        %broadcast_in_dim3A_96 = arith.constant 0.000000e+00 : f32
        %broadcast_in_dim3A_97 = vector.broadcast %broadcast_in_dim3A_96 : f32 to vector<16xf32>
        %broadcast_in_dim3A_98 = arith.constant 0.000000e+00 : f32
        %broadcast_in_dim3A_99 = vector.broadcast %broadcast_in_dim3A_98 : f32 to vector<16xf32>
        %broadcast_in_dim3A_100 = arith.constant 0.000000e+00 : f32
        %broadcast_in_dim3A_101 = vector.broadcast %broadcast_in_dim3A_100 : f32 to vector<16xf32>
        %broadcast_in_dim3A_102 = arith.constant 0.000000e+00 : f32
        %broadcast_in_dim3A_103 = vector.broadcast %broadcast_in_dim3A_102 : f32 to vector<16xf32>
        %broadcast_in_dim3A_104 = arith.constant 0.000000e+00 : f32
        %broadcast_in_dim3A_105 = vector.broadcast %broadcast_in_dim3A_104 : f32 to vector<16xf32>
        %scan3A_106 = arith.constant 0 : i32
        %scan3A_107 = arith.constant 10 : i32
        %scan3A_108 = arith.addi %scan3A_106, %scan3A_107 : i32
        %scan3A_109 = arith.constant 1 : i32
        %scan3A_110:8 = scf.for %scan3A_151 = %scan3A_106 to %scan3A_108 step %scan3A_109 iter_args(%scan3A_152 = %broadcast_in_dim3A_91, %scan3A_153 = %broadcast_in_dim3A_93, %scan3A_154 = %broadcast_in_dim3A_95, %scan3A_155 = %broadcast_in_dim3A_97, %scan3A_156 = %broadcast_in_dim3A_99, %scan3A_157 = %broadcast_in_dim3A_101, %scan3A_158 = %broadcast_in_dim3A_103, %scan3A_159 = %broadcast_in_dim3A_105) -> (vector<16xf32>, vector<16xf32>, vector<16xf32>, vector<16xf32>, vector<16xf32>, vector<16xf32>, vector<16xf32>, vector<16xf32>)  : i32 {
          %mul3A_160 = arith.constant 5 : i32
          %mul3A_161 = arith.muli %mul3A_160, %scan3A_151 : i32
          %add3A_162 = arith.addi %mul3A_90, %mul3A_161 : i32
          %add3A_163 = arith.constant 0 : i32
          %add3A_164 = arith.addi %add3A_162, %add3A_163 : i32
          %get3A = arith.index_cast %add3A_164 : i32 to index
          %get3A_165 = arith.constant 0 : index
          %get3A_166 = tpu.vector_load %arg7[%get3A, %get3A_165] {strides = array<i32>} : memref<800x64xi32, #tpu.memory_space<vmem>>, vector<1x16xi32>,
          %get3A_167 = vector.shape_cast %get3A_166 : vector<1x16xi32> to vector<16xi32>
          %shift_left3A = arith.constant 16 : i32
          %shift_left3A_168 = vector.broadcast %shift_left3A : i32 to vector<16xi32>
          %shift_left3A_169 = arith.shli %get3A_167, %shift_left3A_168 : vector<16xi32>
          %bitcast_convert_type3A = tpu.bitcast %shift_left3A_169 : vector<16xi32> -> vector<16xf32>
          %and3A = arith.constant -65536 : i32
          %and3A_170 = vector.broadcast %and3A : i32 to vector<16xi32>
          %and3A_171 = arith.andi %get3A_167, %and3A_170 : vector<16xi32>
          %bitcast_convert_type3A_172 = tpu.bitcast %and3A_171 : vector<16xi32> -> vector<16xf32>
          %add3A_173 = arith.addf %scan3A_152, %bitcast_convert_type3A : vector<16xf32>
          %add3A_174 = arith.addf %scan3A_153, %bitcast_convert_type3A_172 : vector<16xf32>
          %add3A_175 = arith.constant 0 : i32
          %add3A_176 = arith.addi %add3A_162, %add3A_175 : i32
          %get3A_177 = arith.index_cast %add3A_176 : i32 to index
          %get3A_178 = arith.constant 16 : index
          %get3A_179 = tpu.vector_load %arg7[%get3A_177, %get3A_178] {strides = array<i32>} : memref<800x64xi32, #tpu.memory_space<vmem>>, vector<1x16xi32>,
          %get3A_180 = vector.shape_cast %get3A_179 : vector<1x16xi32> to vector<16xi32>
          %shift_left3A_181 = arith.constant 16 : i32
          %shift_left3A_182 = vector.broadcast %shift_left3A_181 : i32 to vector<16xi32>
          %shift_left3A_183 = arith.shli %get3A_180, %shift_left3A_182 : vector<16xi32>
          %bitcast_convert_type3A_184 = tpu.bitcast %shift_left3A_183 : vector<16xi32> -> vector<16xf32>
          %and3A_185 = arith.constant -65536 : i32
          %and3A_186 = vector.broadcast %and3A_185 : i32 to vector<16xi32>
          %and3A_187 = arith.andi %get3A_180, %and3A_186 : vector<16xi32>
          %bitcast_convert_type3A_188 = tpu.bitcast %and3A_187 : vector<16xi32> -> vector<16xf32>
          %add3A_189 = arith.addf %scan3A_154, %bitcast_convert_type3A_184 : vector<16xf32>
          %add3A_190 = arith.addf %scan3A_155, %bitcast_convert_type3A_188 : vector<16xf32>
          %add3A_191 = arith.constant 0 : i32
          %add3A_192 = arith.addi %add3A_162, %add3A_191 : i32
          %get3A_193 = arith.index_cast %add3A_192 : i32 to index
          %get3A_194 = arith.constant 32 : index
          %get3A_195 = tpu.vector_load %arg7[%get3A_193, %get3A_194] {strides = array<i32>} : memref<800x64xi32, #tpu.memory_space<vmem>>, vector<1x16xi32>,
          %get3A_196 = vector.shape_cast %get3A_195 : vector<1x16xi32> to vector<16xi32>
          %shift_left3A_197 = arith.constant 16 : i32
          %shift_left3A_198 = vector.broadcast %shift_left3A_197 : i32 to vector<16xi32>
          %shift_left3A_199 = arith.shli %get3A_196, %shift_left3A_198 : vector<16xi32>
          %bitcast_convert_type3A_200 = tpu.bitcast %shift_left3A_199 : vector<16xi32> -> vector<16xf32>
          %and3A_201 = arith.constant -65536 : i32
          %and3A_202 = vector.broadcast %and3A_201 : i32 to vector<16xi32>
          %and3A_203 = arith.andi %get3A_196, %and3A_202 : vector<16xi32>
          %bitcast_convert_type3A_204 = tpu.bitcast %and3A_203 : vector<16xi32> -> vector<16xf32>
          %add3A_205 = arith.addf %scan3A_156, %bitcast_convert_type3A_200 : vector<16xf32>
          %add3A_206 = arith.addf %scan3A_157, %bitcast_convert_type3A_204 : vector<16xf32>
          %add3A_207 = arith.constant 0 : i32
          %add3A_208 = arith.addi %add3A_162, %add3A_207 : i32
          %get3A_209 = arith.index_cast %add3A_208 : i32 to index
          %get3A_210 = arith.constant 48 : index
          %get3A_211 = tpu.vector_load %arg7[%get3A_209, %get3A_210] {strides = array<i32>} : memref<800x64xi32, #tpu.memory_space<vmem>>, vector<1x16xi32>,
          %get3A_212 = vector.shape_cast %get3A_211 : vector<1x16xi32> to vector<16xi32>
          %shift_left3A_213 = arith.constant 16 : i32
          %shift_left3A_214 = vector.broadcast %shift_left3A_213 : i32 to vector<16xi32>
          %shift_left3A_215 = arith.shli %get3A_212, %shift_left3A_214 : vector<16xi32>
          %bitcast_convert_type3A_216 = tpu.bitcast %shift_left3A_215 : vector<16xi32> -> vector<16xf32>
          %and3A_217 = arith.constant -65536 : i32
          %and3A_218 = vector.broadcast %and3A_217 : i32 to vector<16xi32>
          %and3A_219 = arith.andi %get3A_212, %and3A_218 : vector<16xi32>
          %bitcast_convert_type3A_220 = tpu.bitcast %and3A_219 : vector<16xi32> -> vector<16xf32>
          %add3A_221 = arith.addf %scan3A_158, %bitcast_convert_type3A_216 : vector<16xf32>
          %add3A_222 = arith.addf %scan3A_159, %bitcast_convert_type3A_220 : vector<16xf32>
          %add3A_223 = arith.constant 1 : i32
          %add3A_224 = arith.addi %add3A_162, %add3A_223 : i32
          %get3A_225 = arith.index_cast %add3A_224 : i32 to index
          %get3A_226 = arith.constant 0 : index
          %get3A_227 = tpu.vector_load %arg7[%get3A_225, %get3A_226] {strides = array<i32>} : memref<800x64xi32, #tpu.memory_space<vmem>>, vector<1x16xi32>,
          %get3A_228 = vector.shape_cast %get3A_227 : vector<1x16xi32> to vector<16xi32>
          %shift_left3A_229 = arith.constant 16 : i32
          %shift_left3A_230 = vector.broadcast %shift_left3A_229 : i32 to vector<16xi32>
          %shift_left3A_231 = arith.shli %get3A_228, %shift_left3A_230 : vector<16xi32>
          %bitcast_convert_type3A_232 = tpu.bitcast %shift_left3A_231 : vector<16xi32> -> vector<16xf32>
          %and3A_233 = arith.constant -65536 : i32
          %and3A_234 = vector.broadcast %and3A_233 : i32 to vector<16xi32>
          %and3A_235 = arith.andi %get3A_228, %and3A_234 : vector<16xi32>
          %bitcast_convert_type3A_236 = tpu.bitcast %and3A_235 : vector<16xi32> -> vector<16xf32>
          %add3A_237 = arith.addf %add3A_173, %bitcast_convert_type3A_232 : vector<16xf32>
          %add3A_238 = arith.addf %add3A_174, %bitcast_convert_type3A_236 : vector<16xf32>
          %add3A_239 = arith.constant 1 : i32
          %add3A_240 = arith.addi %add3A_162, %add3A_239 : i32
          %get3A_241 = arith.index_cast %add3A_240 : i32 to index
          %get3A_242 = arith.constant 16 : index
          %get3A_243 = tpu.vector_load %arg7[%get3A_241, %get3A_242] {strides = array<i32>} : memref<800x64xi32, #tpu.memory_space<vmem>>, vector<1x16xi32>,
          %get3A_244 = vector.shape_cast %get3A_243 : vector<1x16xi32> to vector<16xi32>
          %shift_left3A_245 = arith.constant 16 : i32
          %shift_left3A_246 = vector.broadcast %shift_left3A_245 : i32 to vector<16xi32>
          %shift_left3A_247 = arith.shli %get3A_244, %shift_left3A_246 : vector<16xi32>
          %bitcast_convert_type3A_248 = tpu.bitcast %shift_left3A_247 : vector<16xi32> -> vector<16xf32>
          %and3A_249 = arith.constant -65536 : i32
          %and3A_250 = vector.broadcast %and3A_249 : i32 to vector<16xi32>
          %and3A_251 = arith.andi %get3A_244, %and3A_250 : vector<16xi32>
          %bitcast_convert_type3A_252 = tpu.bitcast %and3A_251 : vector<16xi32> -> vector<16xf32>
          %add3A_253 = arith.addf %add3A_189, %bitcast_convert_type3A_248 : vector<16xf32>
          %add3A_254 = arith.addf %add3A_190, %bitcast_convert_type3A_252 : vector<16xf32>
          %add3A_255 = arith.constant 1 : i32
          %add3A_256 = arith.addi %add3A_162, %add3A_255 : i32
          %get3A_257 = arith.index_cast %add3A_256 : i32 to index
          %get3A_258 = arith.constant 32 : index
          %get3A_259 = tpu.vector_load %arg7[%get3A_257, %get3A_258] {strides = array<i32>} : memref<800x64xi32, #tpu.memory_space<vmem>>, vector<1x16xi32>,
          %get3A_260 = vector.shape_cast %get3A_259 : vector<1x16xi32> to vector<16xi32>
          %shift_left3A_261 = arith.constant 16 : i32
          %shift_left3A_262 = vector.broadcast %shift_left3A_261 : i32 to vector<16xi32>
          %shift_left3A_263 = arith.shli %get3A_260, %shift_left3A_262 : vector<16xi32>
          %bitcast_convert_type3A_264 = tpu.bitcast %shift_left3A_263 : vector<16xi32> -> vector<16xf32>
          %and3A_265 = arith.constant -65536 : i32
          %and3A_266 = vector.broadcast %and3A_265 : i32 to vector<16xi32>
          %and3A_267 = arith.andi %get3A_260, %and3A_266 : vector<16xi32>
          %bitcast_convert_type3A_268 = tpu.bitcast %and3A_267 : vector<16xi32> -> vector<16xf32>
          %add3A_269 = arith.addf %add3A_205, %bitcast_convert_type3A_264 : vector<16xf32>
          %add3A_270 = arith.addf %add3A_206, %bitcast_convert_type3A_268 : vector<16xf32>
          %add3A_271 = arith.constant 1 : i32
          %add3A_272 = arith.addi %add3A_162, %add3A_271 : i32
          %get3A_273 = arith.index_cast %add3A_272 : i32 to index
          %get3A_274 = arith.constant 48 : index
          %get3A_275 = tpu.vector_load %arg7[%get3A_273, %get3A_274] {strides = array<i32>} : memref<800x64xi32, #tpu.memory_space<vmem>>, vector<1x16xi32>,
          %get3A_276 = vector.shape_cast %get3A_275 : vector<1x16xi32> to vector<16xi32>
          %shift_left3A_277 = arith.constant 16 : i32
          %shift_left3A_278 = vector.broadcast %shift_left3A_277 : i32 to vector<16xi32>
          %shift_left3A_279 = arith.shli %get3A_276, %shift_left3A_278 : vector<16xi32>
          %bitcast_convert_type3A_280 = tpu.bitcast %shift_left3A_279 : vector<16xi32> -> vector<16xf32>
          %and3A_281 = arith.constant -65536 : i32
          %and3A_282 = vector.broadcast %and3A_281 : i32 to vector<16xi32>
          %and3A_283 = arith.andi %get3A_276, %and3A_282 : vector<16xi32>
          %bitcast_convert_type3A_284 = tpu.bitcast %and3A_283 : vector<16xi32> -> vector<16xf32>
          %add3A_285 = arith.addf %add3A_221, %bitcast_convert_type3A_280 : vector<16xf32>
          %add3A_286 = arith.addf %add3A_222, %bitcast_convert_type3A_284 : vector<16xf32>
          %add3A_287 = arith.constant 2 : i32
          %add3A_288 = arith.addi %add3A_162, %add3A_287 : i32
          %get3A_289 = arith.index_cast %add3A_288 : i32 to index
          %get3A_290 = arith.constant 0 : index
          %get3A_291 = tpu.vector_load %arg7[%get3A_289, %get3A_290] {strides = array<i32>} : memref<800x64xi32, #tpu.memory_space<vmem>>, vector<1x16xi32>,
          %get3A_292 = vector.shape_cast %get3A_291 : vector<1x16xi32> to vector<16xi32>
          %shift_left3A_293 = arith.constant 16 : i32
          %shift_left3A_294 = vector.broadcast %shift_left3A_293 : i32 to vector<16xi32>
          %shift_left3A_295 = arith.shli %get3A_292, %shift_left3A_294 : vector<16xi32>
          %bitcast_convert_type3A_296 = tpu.bitcast %shift_left3A_295 : vector<16xi32> -> vector<16xf32>
          %and3A_297 = arith.constant -65536 : i32
          %and3A_298 = vector.broadcast %and3A_297 : i32 to vector<16xi32>
          %and3A_299 = arith.andi %get3A_292, %and3A_298 : vector<16xi32>
          %bitcast_convert_type3A_300 = tpu.bitcast %and3A_299 : vector<16xi32> -> vector<16xf32>
          %add3A_301 = arith.addf %add3A_237, %bitcast_convert_type3A_296 : vector<16xf32>
          %add3A_302 = arith.addf %add3A_238, %bitcast_convert_type3A_300 : vector<16xf32>
          %add3A_303 = arith.constant 2 : i32
          %add3A_304 = arith.addi %add3A_162, %add3A_303 : i32
          %get3A_305 = arith.index_cast %add3A_304 : i32 to index
          %get3A_306 = arith.constant 16 : index
          %get3A_307 = tpu.vector_load %arg7[%get3A_305, %get3A_306] {strides = array<i32>} : memref<800x64xi32, #tpu.memory_space<vmem>>, vector<1x16xi32>,
          %get3A_308 = vector.shape_cast %get3A_307 : vector<1x16xi32> to vector<16xi32>
          %shift_left3A_309 = arith.constant 16 : i32
          %shift_left3A_310 = vector.broadcast %shift_left3A_309 : i32 to vector<16xi32>
          %shift_left3A_311 = arith.shli %get3A_308, %shift_left3A_310 : vector<16xi32>
          %bitcast_convert_type3A_312 = tpu.bitcast %shift_left3A_311 : vector<16xi32> -> vector<16xf32>
          %and3A_313 = arith.constant -65536 : i32
          %and3A_314 = vector.broadcast %and3A_313 : i32 to vector<16xi32>
          %and3A_315 = arith.andi %get3A_308, %and3A_314 : vector<16xi32>
          %bitcast_convert_type3A_316 = tpu.bitcast %and3A_315 : vector<16xi32> -> vector<16xf32>
          %add3A_317 = arith.addf %add3A_253, %bitcast_convert_type3A_312 : vector<16xf32>
          %add3A_318 = arith.addf %add3A_254, %bitcast_convert_type3A_316 : vector<16xf32>
          %add3A_319 = arith.constant 2 : i32
          %add3A_320 = arith.addi %add3A_162, %add3A_319 : i32
          %get3A_321 = arith.index_cast %add3A_320 : i32 to index
          %get3A_322 = arith.constant 32 : index
          %get3A_323 = tpu.vector_load %arg7[%get3A_321, %get3A_322] {strides = array<i32>} : memref<800x64xi32, #tpu.memory_space<vmem>>, vector<1x16xi32>,
          %get3A_324 = vector.shape_cast %get3A_323 : vector<1x16xi32> to vector<16xi32>
          %shift_left3A_325 = arith.constant 16 : i32
          %shift_left3A_326 = vector.broadcast %shift_left3A_325 : i32 to vector<16xi32>
          %shift_left3A_327 = arith.shli %get3A_324, %shift_left3A_326 : vector<16xi32>
          %bitcast_convert_type3A_328 = tpu.bitcast %shift_left3A_327 : vector<16xi32> -> vector<16xf32>
          %and3A_329 = arith.constant -65536 : i32
          %and3A_330 = vector.broadcast %and3A_329 : i32 to vector<16xi32>
          %and3A_331 = arith.andi %get3A_324, %and3A_330 : vector<16xi32>
          %bitcast_convert_type3A_332 = tpu.bitcast %and3A_331 : vector<16xi32> -> vector<16xf32>
          %add3A_333 = arith.addf %add3A_269, %bitcast_convert_type3A_328 : vector<16xf32>
          %add3A_334 = arith.addf %add3A_270, %bitcast_convert_type3A_332 : vector<16xf32>
          %add3A_335 = arith.constant 2 : i32
          %add3A_336 = arith.addi %add3A_162, %add3A_335 : i32
          %get3A_337 = arith.index_cast %add3A_336 : i32 to index
          %get3A_338 = arith.constant 48 : index
          %get3A_339 = tpu.vector_load %arg7[%get3A_337, %get3A_338] {strides = array<i32>} : memref<800x64xi32, #tpu.memory_space<vmem>>, vector<1x16xi32>,
          %get3A_340 = vector.shape_cast %get3A_339 : vector<1x16xi32> to vector<16xi32>
          %shift_left3A_341 = arith.constant 16 : i32
          %shift_left3A_342 = vector.broadcast %shift_left3A_341 : i32 to vector<16xi32>
          %shift_left3A_343 = arith.shli %get3A_340, %shift_left3A_342 : vector<16xi32>
          %bitcast_convert_type3A_344 = tpu.bitcast %shift_left3A_343 : vector<16xi32> -> vector<16xf32>
          %and3A_345 = arith.constant -65536 : i32
          %and3A_346 = vector.broadcast %and3A_345 : i32 to vector<16xi32>
          %and3A_347 = arith.andi %get3A_340, %and3A_346 : vector<16xi32>
          %bitcast_convert_type3A_348 = tpu.bitcast %and3A_347 : vector<16xi32> -> vector<16xf32>
          %add3A_349 = arith.addf %add3A_285, %bitcast_convert_type3A_344 : vector<16xf32>
          %add3A_350 = arith.addf %add3A_286, %bitcast_convert_type3A_348 : vector<16xf32>
          %add3A_351 = arith.constant 3 : i32
          %add3A_352 = arith.addi %add3A_162, %add3A_351 : i32
          %get3A_353 = arith.index_cast %add3A_352 : i32 to index
          %get3A_354 = arith.constant 0 : index
          %get3A_355 = tpu.vector_load %arg7[%get3A_353, %get3A_354] {strides = array<i32>} : memref<800x64xi32, #tpu.memory_space<vmem>>, vector<1x16xi32>,
          %get3A_356 = vector.shape_cast %get3A_355 : vector<1x16xi32> to vector<16xi32>
          %shift_left3A_357 = arith.constant 16 : i32
          %shift_left3A_358 = vector.broadcast %shift_left3A_357 : i32 to vector<16xi32>
          %shift_left3A_359 = arith.shli %get3A_356, %shift_left3A_358 : vector<16xi32>
          %bitcast_convert_type3A_360 = tpu.bitcast %shift_left3A_359 : vector<16xi32> -> vector<16xf32>
          %and3A_361 = arith.constant -65536 : i32
          %and3A_362 = vector.broadcast %and3A_361 : i32 to vector<16xi32>
          %and3A_363 = arith.andi %get3A_356, %and3A_362 : vector<16xi32>
          %bitcast_convert_type3A_364 = tpu.bitcast %and3A_363 : vector<16xi32> -> vector<16xf32>
          %add3A_365 = arith.addf %add3A_301, %bitcast_convert_type3A_360 : vector<16xf32>
          %add3A_366 = arith.addf %add3A_302, %bitcast_convert_type3A_364 : vector<16xf32>
          %add3A_367 = arith.constant 3 : i32
          %add3A_368 = arith.addi %add3A_162, %add3A_367 : i32
          %get3A_369 = arith.index_cast %add3A_368 : i32 to index
          %get3A_370 = arith.constant 16 : index
          %get3A_371 = tpu.vector_load %arg7[%get3A_369, %get3A_370] {strides = array<i32>} : memref<800x64xi32, #tpu.memory_space<vmem>>, vector<1x16xi32>,
          %get3A_372 = vector.shape_cast %get3A_371 : vector<1x16xi32> to vector<16xi32>
          %shift_left3A_373 = arith.constant 16 : i32
          %shift_left3A_374 = vector.broadcast %shift_left3A_373 : i32 to vector<16xi32>
          %shift_left3A_375 = arith.shli %get3A_372, %shift_left3A_374 : vector<16xi32>
          %bitcast_convert_type3A_376 = tpu.bitcast %shift_left3A_375 : vector<16xi32> -> vector<16xf32>
          %and3A_377 = arith.constant -65536 : i32
          %and3A_378 = vector.broadcast %and3A_377 : i32 to vector<16xi32>
          %and3A_379 = arith.andi %get3A_372, %and3A_378 : vector<16xi32>
          %bitcast_convert_type3A_380 = tpu.bitcast %and3A_379 : vector<16xi32> -> vector<16xf32>
          %add3A_381 = arith.addf %add3A_317, %bitcast_convert_type3A_376 : vector<16xf32>
          %add3A_382 = arith.addf %add3A_318, %bitcast_convert_type3A_380 : vector<16xf32>
          %add3A_383 = arith.constant 3 : i32
          %add3A_384 = arith.addi %add3A_162, %add3A_383 : i32
          %get3A_385 = arith.index_cast %add3A_384 : i32 to index
          %get3A_386 = arith.constant 32 : index
          %get3A_387 = tpu.vector_load %arg7[%get3A_385, %get3A_386] {strides = array<i32>} : memref<800x64xi32, #tpu.memory_space<vmem>>, vector<1x16xi32>,
          %get3A_388 = vector.shape_cast %get3A_387 : vector<1x16xi32> to vector<16xi32>
          %shift_left3A_389 = arith.constant 16 : i32
          %shift_left3A_390 = vector.broadcast %shift_left3A_389 : i32 to vector<16xi32>
          %shift_left3A_391 = arith.shli %get3A_388, %shift_left3A_390 : vector<16xi32>
          %bitcast_convert_type3A_392 = tpu.bitcast %shift_left3A_391 : vector<16xi32> -> vector<16xf32>
          %and3A_393 = arith.constant -65536 : i32
          %and3A_394 = vector.broadcast %and3A_393 : i32 to vector<16xi32>
          %and3A_395 = arith.andi %get3A_388, %and3A_394 : vector<16xi32>
          %bitcast_convert_type3A_396 = tpu.bitcast %and3A_395 : vector<16xi32> -> vector<16xf32>
          %add3A_397 = arith.addf %add3A_333, %bitcast_convert_type3A_392 : vector<16xf32>
          %add3A_398 = arith.addf %add3A_334, %bitcast_convert_type3A_396 : vector<16xf32>
          %add3A_399 = arith.constant 3 : i32
          %add3A_400 = arith.addi %add3A_162, %add3A_399 : i32
          %get3A_401 = arith.index_cast %add3A_400 : i32 to index
          %get3A_402 = arith.constant 48 : index
          %get3A_403 = tpu.vector_load %arg7[%get3A_401, %get3A_402] {strides = array<i32>} : memref<800x64xi32, #tpu.memory_space<vmem>>, vector<1x16xi32>,
          %get3A_404 = vector.shape_cast %get3A_403 : vector<1x16xi32> to vector<16xi32>
          %shift_left3A_405 = arith.constant 16 : i32
          %shift_left3A_406 = vector.broadcast %shift_left3A_405 : i32 to vector<16xi32>
          %shift_left3A_407 = arith.shli %get3A_404, %shift_left3A_406 : vector<16xi32>
          %bitcast_convert_type3A_408 = tpu.bitcast %shift_left3A_407 : vector<16xi32> -> vector<16xf32>
          %and3A_409 = arith.constant -65536 : i32
          %and3A_410 = vector.broadcast %and3A_409 : i32 to vector<16xi32>
          %and3A_411 = arith.andi %get3A_404, %and3A_410 : vector<16xi32>
          %bitcast_convert_type3A_412 = tpu.bitcast %and3A_411 : vector<16xi32> -> vector<16xf32>
          %add3A_413 = arith.addf %add3A_349, %bitcast_convert_type3A_408 : vector<16xf32>
          %add3A_414 = arith.addf %add3A_350, %bitcast_convert_type3A_412 : vector<16xf32>
          %add3A_415 = arith.constant 4 : i32
          %add3A_416 = arith.addi %add3A_162, %add3A_415 : i32
          %get3A_417 = arith.index_cast %add3A_416 : i32 to index
          %get3A_418 = arith.constant 0 : index
          %get3A_419 = tpu.vector_load %arg7[%get3A_417, %get3A_418] {strides = array<i32>} : memref<800x64xi32, #tpu.memory_space<vmem>>, vector<1x16xi32>,
          %get3A_420 = vector.shape_cast %get3A_419 : vector<1x16xi32> to vector<16xi32>
          %shift_left3A_421 = arith.constant 16 : i32
          %shift_left3A_422 = vector.broadcast %shift_left3A_421 : i32 to vector<16xi32>
          %shift_left3A_423 = arith.shli %get3A_420, %shift_left3A_422 : vector<16xi32>
          %bitcast_convert_type3A_424 = tpu.bitcast %shift_left3A_423 : vector<16xi32> -> vector<16xf32>
          %and3A_425 = arith.constant -65536 : i32
          %and3A_426 = vector.broadcast %and3A_425 : i32 to vector<16xi32>
          %and3A_427 = arith.andi %get3A_420, %and3A_426 : vector<16xi32>
          %bitcast_convert_type3A_428 = tpu.bitcast %and3A_427 : vector<16xi32> -> vector<16xf32>
          %add3A_429 = arith.addf %add3A_365, %bitcast_convert_type3A_424 : vector<16xf32>
          %add3A_430 = arith.addf %add3A_366, %bitcast_convert_type3A_428 : vector<16xf32>
          %add3A_431 = arith.constant 4 : i32
          %add3A_432 = arith.addi %add3A_162, %add3A_431 : i32
          %get3A_433 = arith.index_cast %add3A_432 : i32 to index
          %get3A_434 = arith.constant 16 : index
          %get3A_435 = tpu.vector_load %arg7[%get3A_433, %get3A_434] {strides = array<i32>} : memref<800x64xi32, #tpu.memory_space<vmem>>, vector<1x16xi32>,
          %get3A_436 = vector.shape_cast %get3A_435 : vector<1x16xi32> to vector<16xi32>
          %shift_left3A_437 = arith.constant 16 : i32
          %shift_left3A_438 = vector.broadcast %shift_left3A_437 : i32 to vector<16xi32>
          %shift_left3A_439 = arith.shli %get3A_436, %shift_left3A_438 : vector<16xi32>
          %bitcast_convert_type3A_440 = tpu.bitcast %shift_left3A_439 : vector<16xi32> -> vector<16xf32>
          %and3A_441 = arith.constant -65536 : i32
          %and3A_442 = vector.broadcast %and3A_441 : i32 to vector<16xi32>
          %and3A_443 = arith.andi %get3A_436, %and3A_442 : vector<16xi32>
          %bitcast_convert_type3A_444 = tpu.bitcast %and3A_443 : vector<16xi32> -> vector<16xf32>
          %add3A_445 = arith.addf %add3A_381, %bitcast_convert_type3A_440 : vector<16xf32>
          %add3A_446 = arith.addf %add3A_382, %bitcast_convert_type3A_444 : vector<16xf32>
          %add3A_447 = arith.constant 4 : i32
          %add3A_448 = arith.addi %add3A_162, %add3A_447 : i32
          %get3A_449 = arith.index_cast %add3A_448 : i32 to index
          %get3A_450 = arith.constant 32 : index
          %get3A_451 = tpu.vector_load %arg7[%get3A_449, %get3A_450] {strides = array<i32>} : memref<800x64xi32, #tpu.memory_space<vmem>>, vector<1x16xi32>,
          %get3A_452 = vector.shape_cast %get3A_451 : vector<1x16xi32> to vector<16xi32>
          %shift_left3A_453 = arith.constant 16 : i32
          %shift_left3A_454 = vector.broadcast %shift_left3A_453 : i32 to vector<16xi32>
          %shift_left3A_455 = arith.shli %get3A_452, %shift_left3A_454 : vector<16xi32>
          %bitcast_convert_type3A_456 = tpu.bitcast %shift_left3A_455 : vector<16xi32> -> vector<16xf32>
          %and3A_457 = arith.constant -65536 : i32
          %and3A_458 = vector.broadcast %and3A_457 : i32 to vector<16xi32>
          %and3A_459 = arith.andi %get3A_452, %and3A_458 : vector<16xi32>
          %bitcast_convert_type3A_460 = tpu.bitcast %and3A_459 : vector<16xi32> -> vector<16xf32>
          %add3A_461 = arith.addf %add3A_397, %bitcast_convert_type3A_456 : vector<16xf32>
          %add3A_462 = arith.addf %add3A_398, %bitcast_convert_type3A_460 : vector<16xf32>
          %add3A_463 = arith.constant 4 : i32
          %add3A_464 = arith.addi %add3A_162, %add3A_463 : i32
          %get3A_465 = arith.index_cast %add3A_464 : i32 to index
          %get3A_466 = arith.constant 48 : index
          %get3A_467 = tpu.vector_load %arg7[%get3A_465, %get3A_466] {strides = array<i32>} : memref<800x64xi32, #tpu.memory_space<vmem>>, vector<1x16xi32>,
          %get3A_468 = vector.shape_cast %get3A_467 : vector<1x16xi32> to vector<16xi32>
          %shift_left3A_469 = arith.constant 16 : i32
          %shift_left3A_470 = vector.broadcast %shift_left3A_469 : i32 to vector<16xi32>
          %shift_left3A_471 = arith.shli %get3A_468, %shift_left3A_470 : vector<16xi32>
          %bitcast_convert_type3A_472 = tpu.bitcast %shift_left3A_471 : vector<16xi32> -> vector<16xf32>
          %and3A_473 = arith.constant -65536 : i32
          %and3A_474 = vector.broadcast %and3A_473 : i32 to vector<16xi32>
          %and3A_475 = arith.andi %get3A_468, %and3A_474 : vector<16xi32>
          %bitcast_convert_type3A_476 = tpu.bitcast %and3A_475 : vector<16xi32> -> vector<16xf32>
          %add3A_477 = arith.addf %add3A_413, %bitcast_convert_type3A_472 : vector<16xf32>
          %add3A_478 = arith.addf %add3A_414, %bitcast_convert_type3A_476 : vector<16xf32>
          scf.yield %add3A_429, %add3A_430, %add3A_445, %add3A_446, %add3A_461, %add3A_462, %add3A_477, %add3A_478 : vector<16xf32>, vector<16xf32>, vector<16xf32>, vector<16xf32>, vector<16xf32>, vector<16xf32>, vector<16xf32>, vector<16xf32>
        }
        %scan3A_111 = arith.constant 10 : i32
        %swap3A = arith.index_cast %scan3A_88 : i32 to index
        %swap3A_112 = arith.constant 0 : index
        %swap3A_113 = tpu.vector_load %arg9[%swap3A, %swap3A_112] {strides = array<i32>} : memref<16x128xf32, #tpu.memory_space<vmem>>, vector<1x16xf32>,
        %swap3A_114 = vector.shape_cast %swap3A_113 : vector<1x16xf32> to vector<16xf32>
        %swap3A_115 = vector.shape_cast %scan3A_110#0 : vector<16xf32> to vector<1x16xf32>
        tpu.vector_store %arg9[%swap3A, %swap3A_112], %swap3A_115 {strides = array<i32>} : memref<16x128xf32, #tpu.memory_space<vmem>>, vector<1x16xf32>,
        %swap3A_116 = arith.index_cast %scan3A_88 : i32 to index
        %swap3A_117 = arith.constant 16 : index
        %swap3A_118 = tpu.vector_load %arg9[%swap3A_116, %swap3A_117] {strides = array<i32>} : memref<16x128xf32, #tpu.memory_space<vmem>>, vector<1x16xf32>,
        %swap3A_119 = vector.shape_cast %swap3A_118 : vector<1x16xf32> to vector<16xf32>
        %swap3A_120 = vector.shape_cast %scan3A_110#1 : vector<16xf32> to vector<1x16xf32>
        tpu.vector_store %arg9[%swap3A_116, %swap3A_117], %swap3A_120 {strides = array<i32>} : memref<16x128xf32, #tpu.memory_space<vmem>>, vector<1x16xf32>,
        %swap3A_121 = arith.index_cast %scan3A_88 : i32 to index
        %swap3A_122 = arith.constant 32 : index
        %swap3A_123 = tpu.vector_load %arg9[%swap3A_121, %swap3A_122] {strides = array<i32>} : memref<16x128xf32, #tpu.memory_space<vmem>>, vector<1x16xf32>,
        %swap3A_124 = vector.shape_cast %swap3A_123 : vector<1x16xf32> to vector<16xf32>
        %swap3A_125 = vector.shape_cast %scan3A_110#2 : vector<16xf32> to vector<1x16xf32>
        tpu.vector_store %arg9[%swap3A_121, %swap3A_122], %swap3A_125 {strides = array<i32>} : memref<16x128xf32, #tpu.memory_space<vmem>>, vector<1x16xf32>,
        %swap3A_126 = arith.index_cast %scan3A_88 : i32 to index
        %swap3A_127 = arith.constant 48 : index
        %swap3A_128 = tpu.vector_load %arg9[%swap3A_126, %swap3A_127] {strides = array<i32>} : memref<16x128xf32, #tpu.memory_space<vmem>>, vector<1x16xf32>,
        %swap3A_129 = vector.shape_cast %swap3A_128 : vector<1x16xf32> to vector<16xf32>
        %swap3A_130 = vector.shape_cast %scan3A_110#3 : vector<16xf32> to vector<1x16xf32>
        tpu.vector_store %arg9[%swap3A_126, %swap3A_127], %swap3A_130 {strides = array<i32>} : memref<16x128xf32, #tpu.memory_space<vmem>>, vector<1x16xf32>,
        %swap3A_131 = arith.index_cast %scan3A_88 : i32 to index
        %swap3A_132 = arith.constant 64 : index
        %swap3A_133 = tpu.vector_load %arg9[%swap3A_131, %swap3A_132] {strides = array<i32>} : memref<16x128xf32, #tpu.memory_space<vmem>>, vector<1x16xf32>,
        %swap3A_134 = vector.shape_cast %swap3A_133 : vector<1x16xf32> to vector<16xf32>
        %swap3A_135 = vector.shape_cast %scan3A_110#4 : vector<16xf32> to vector<1x16xf32>
        tpu.vector_store %arg9[%swap3A_131, %swap3A_132], %swap3A_135 {strides = array<i32>} : memref<16x128xf32, #tpu.memory_space<vmem>>, vector<1x16xf32>,
        %swap3A_136 = arith.index_cast %scan3A_88 : i32 to index
        %swap3A_137 = arith.constant 80 : index
        %swap3A_138 = tpu.vector_load %arg9[%swap3A_136, %swap3A_137] {strides = array<i32>} : memref<16x128xf32, #tpu.memory_space<vmem>>, vector<1x16xf32>,
        %swap3A_139 = vector.shape_cast %swap3A_138 : vector<1x16xf32> to vector<16xf32>
        %swap3A_140 = vector.shape_cast %scan3A_110#5 : vector<16xf32> to vector<1x16xf32>
        tpu.vector_store %arg9[%swap3A_136, %swap3A_137], %swap3A_140 {strides = array<i32>} : memref<16x128xf32, #tpu.memory_space<vmem>>, vector<1x16xf32>,
        %swap3A_141 = arith.index_cast %scan3A_88 : i32 to index
        %swap3A_142 = arith.constant 96 : index
        %swap3A_143 = tpu.vector_load %arg9[%swap3A_141, %swap3A_142] {strides = array<i32>} : memref<16x128xf32, #tpu.memory_space<vmem>>, vector<1x16xf32>,
        %swap3A_144 = vector.shape_cast %swap3A_143 : vector<1x16xf32> to vector<16xf32>
        %swap3A_145 = vector.shape_cast %scan3A_110#6 : vector<16xf32> to vector<1x16xf32>
        tpu.vector_store %arg9[%swap3A_141, %swap3A_142], %swap3A_145 {strides = array<i32>} : memref<16x128xf32, #tpu.memory_space<vmem>>, vector<1x16xf32>,
        %swap3A_146 = arith.index_cast %scan3A_88 : i32 to index
        %swap3A_147 = arith.constant 112 : index
        %swap3A_148 = tpu.vector_load %arg9[%swap3A_146, %swap3A_147] {strides = array<i32>} : memref<16x128xf32, #tpu.memory_space<vmem>>, vector<1x16xf32>,
        %swap3A_149 = vector.shape_cast %swap3A_148 : vector<1x16xf32> to vector<16xf32>
        %swap3A_150 = vector.shape_cast %scan3A_110#7 : vector<16xf32> to vector<1x16xf32>
        tpu.vector_store %arg9[%swap3A_146, %swap3A_147], %swap3A_150 {strides = array<i32>} : memref<16x128xf32, #tpu.memory_space<vmem>>, vector<1x16xf32>,
      }
      %scan3A_51 = arith.constant 16 : i32
      %mul3A_52 = arith.constant 16 : i32
      %mul3A_53 = arith.muli %mul3A_28, %mul3A_52 : i32
      %add3A_54 = arith.addi %add3A, %mul3A_53 : i32
      %dma_start3A_55 = arith.constant 0 : i32
      %dma_start3A_56 = tpu.memref_slice %arg5[%add3A_54, %dma_start3A_55] : memref<8192x128xf32, #tpu.memory_space<hbm>> -> memref<16x128xf32, #tpu.memory_space<hbm>>
      %dma_start3A_57 = arith.constant 0 : i32
      %dma_start3A_58 = tpu.memref_slice %arg5[%add3A_54, %dma_start3A_57] : memref<8192x128xf32, #tpu.memory_space<hbm>> -> memref<16x128xf32, #tpu.memory_space<hbm>>
      tpu.enqueue_dma source(%arg9 : memref<16x128xf32, #tpu.memory_space<vmem>>) target(%dma_start3A_58 : memref<16x128xf32, #tpu.memory_space<hbm>>) target_semaphore(%arg13 : memref<!tpu.dma_semaphore, #tpu.memory_space<semaphore_mem>>)
      %dma_wait3A_59 = arith.constant 0 : i32
      %dma_wait3A_60 = tpu.memref_slice %arg6[%dma_wait3A_59] : memref<12800xi32, #tpu.memory_space<vmem>> -> memref<800xi32, #tpu.memory_space<vmem>>
      %dma_wait3A_61 = arith.constant 0 : i32
      %dma_wait3A_62 = arith.constant 0 : i32
      %dma_wait3A_63 = tpu.memref_slice %arg2[%dma_wait3A_61, %dma_wait3A_62] : memref<21128x64xi32, #tpu.memory_space<hbm>> -> memref<21128x64xi32, #tpu.memory_space<hbm>>
      tpu.wait_indirect_dma semaphore(%arg12 : memref<!tpu.dma_semaphore, #tpu.memory_space<semaphore_mem>>) src(%dma_wait3A_63 : memref<21128x64xi32, #tpu.memory_space<hbm>>) dst(%arg8 : memref<800x64xi32, #tpu.memory_space<vmem>>)
      %lt3A = arith.constant 7 : i32
      %lt3A_64 = arith.cmpi slt, %scan3A_26, %lt3A : i32
      %convert_element_type3A_65 = arith.extui %lt3A_64 : i1 to i32
      %cond3A_66 = arith.constant 0 : i32
      %cond3A_67 = arith.cmpi ne, %convert_element_type3A_65, %cond3A_66 : i32
      scf.if %cond3A_67 {
        %add3A_88 = arith.constant 2 : i32
        %add3A_89 = arith.addi %mul3A_28, %add3A_88 : i32
        %mul3A_90 = arith.constant 800 : i32
        %mul3A_91 = arith.muli %add3A_89, %mul3A_90 : i32
        %dma_start3A_92 = tpu.memref_slice %arg6[%mul3A_91] : memref<12800xi32, #tpu.memory_space<vmem>> -> memref<800xi32, #tpu.memory_space<vmem>>
        %dma_start3A_93 = arith.constant 0 : i32
        %dma_start3A_94 = arith.constant 0 : i32
        %dma_start3A_95 = tpu.memref_slice %arg2[%dma_start3A_93, %dma_start3A_94] : memref<21128x64xi32, #tpu.memory_space<hbm>> -> memref<21128x64xi32, #tpu.memory_space<hbm>>
        tpu.enqueue_indirect_dma source(%dma_start3A_95 : memref<21128x64xi32, #tpu.memory_space<hbm>>) target(%arg7 : memref<800x64xi32, #tpu.memory_space<vmem>>) offsets(%dma_start3A_92 : memref<800xi32, #tpu.memory_space<vmem>>) semaphore(%arg11 : memref<!tpu.dma_semaphore, #tpu.memory_space<semaphore_mem>>)
      } else {
      }
      %gt3A_68 = arith.constant 0 : i32
      %gt3A_69 = arith.cmpi sgt, %scan3A_26, %gt3A_68 : i32
      %convert_element_type3A_70 = arith.extui %gt3A_69 : i1 to i32
      %cond3A_71 = arith.constant 0 : i32
      %cond3A_72 = arith.cmpi ne, %convert_element_type3A_70, %cond3A_71 : i32
      scf.if %cond3A_72 {
        %dma_wait3A_88 = arith.constant 0 : i32
        %dma_wait3A_89 = tpu.memref_slice %arg5[%add3A, %dma_wait3A_88] : memref<8192x128xf32, #tpu.memory_space<hbm>> -> memref<16x128xf32, #tpu.memory_space<hbm>>
        %dma_wait3A_90 = arith.constant 0 : i32
        %dma_wait3A_91 = tpu.memref_slice %arg5[%add3A, %dma_wait3A_90] : memref<8192x128xf32, #tpu.memory_space<hbm>> -> memref<16x128xf32, #tpu.memory_space<hbm>>
        tpu.wait_dma2 semaphore(%arg14 : memref<!tpu.dma_semaphore, #tpu.memory_space<semaphore_mem>>) src(%arg10 : memref<16x128xf32, #tpu.memory_space<vmem>>) dst(%dma_wait3A_91 : memref<16x128xf32, #tpu.memory_space<hbm>>)
      } else {
      }
      %scan3A_73 = arith.constant 0 : i32
      %scan3A_74 = arith.constant 0 : i32
      %scan3A_75 = arith.constant 16 : i32
      %scan3A_76 = arith.addi %scan3A_74, %scan3A_75 : i32
      %scan3A_77 = arith.constant 1 : i32
      scf.for %scan3A_88 = %scan3A_74 to %scan3A_76 step %scan3A_77  : i32 {
        %mul3A_89 = arith.constant 50 : i32
        %mul3A_90 = arith.muli %scan3A_88, %mul3A_89 : i32
        %broadcast_in_dim3A = arith.constant 0.000000e+00 : f32
        %broadcast_in_dim3A_91 = vector.broadcast %broadcast_in_dim3A : f32 to vector<16xf32>
        %broadcast_in_dim3A_92 = arith.constant 0.000000e+00 : f32
        %broadcast_in_dim3A_93 = vector.broadcast %broadcast_in_dim3A_92 : f32 to vector<16xf32>
        %broadcast_in_dim3A_94 = arith.constant 0.000000e+00 : f32
        %broadcast_in_dim3A_95 = vector.broadcast %broadcast_in_dim3A_94 : f32 to vector<16xf32>
        %broadcast_in_dim3A_96 = arith.constant 0.000000e+00 : f32
        %broadcast_in_dim3A_97 = vector.broadcast %broadcast_in_dim3A_96 : f32 to vector<16xf32>
        %broadcast_in_dim3A_98 = arith.constant 0.000000e+00 : f32
        %broadcast_in_dim3A_99 = vector.broadcast %broadcast_in_dim3A_98 : f32 to vector<16xf32>
        %broadcast_in_dim3A_100 = arith.constant 0.000000e+00 : f32
        %broadcast_in_dim3A_101 = vector.broadcast %broadcast_in_dim3A_100 : f32 to vector<16xf32>
        %broadcast_in_dim3A_102 = arith.constant 0.000000e+00 : f32
        %broadcast_in_dim3A_103 = vector.broadcast %broadcast_in_dim3A_102 : f32 to vector<16xf32>
        %broadcast_in_dim3A_104 = arith.constant 0.000000e+00 : f32
        %broadcast_in_dim3A_105 = vector.broadcast %broadcast_in_dim3A_104 : f32 to vector<16xf32>
        %scan3A_106 = arith.constant 0 : i32
        %scan3A_107 = arith.constant 10 : i32
        %scan3A_108 = arith.addi %scan3A_106, %scan3A_107 : i32
        %scan3A_109 = arith.constant 1 : i32
        %scan3A_110:8 = scf.for %scan3A_151 = %scan3A_106 to %scan3A_108 step %scan3A_109 iter_args(%scan3A_152 = %broadcast_in_dim3A_91, %scan3A_153 = %broadcast_in_dim3A_93, %scan3A_154 = %broadcast_in_dim3A_95, %scan3A_155 = %broadcast_in_dim3A_97, %scan3A_156 = %broadcast_in_dim3A_99, %scan3A_157 = %broadcast_in_dim3A_101, %scan3A_158 = %broadcast_in_dim3A_103, %scan3A_159 = %broadcast_in_dim3A_105) -> (vector<16xf32>, vector<16xf32>, vector<16xf32>, vector<16xf32>, vector<16xf32>, vector<16xf32>, vector<16xf32>, vector<16xf32>)  : i32 {
          %mul3A_160 = arith.constant 5 : i32
          %mul3A_161 = arith.muli %mul3A_160, %scan3A_151 : i32
          %add3A_162 = arith.addi %mul3A_90, %mul3A_161 : i32
          %add3A_163 = arith.constant 0 : i32
          %add3A_164 = arith.addi %add3A_162, %add3A_163 : i32
          %get3A = arith.index_cast %add3A_164 : i32 to index
          %get3A_165 = arith.constant 0 : index
          %get3A_166 = tpu.vector_load %arg8[%get3A, %get3A_165] {strides = array<i32>} : memref<800x64xi32, #tpu.memory_space<vmem>>, vector<1x16xi32>,
          %get3A_167 = vector.shape_cast %get3A_166 : vector<1x16xi32> to vector<16xi32>
          %shift_left3A = arith.constant 16 : i32
          %shift_left3A_168 = vector.broadcast %shift_left3A : i32 to vector<16xi32>
          %shift_left3A_169 = arith.shli %get3A_167, %shift_left3A_168 : vector<16xi32>
          %bitcast_convert_type3A = tpu.bitcast %shift_left3A_169 : vector<16xi32> -> vector<16xf32>
          %and3A = arith.constant -65536 : i32
          %and3A_170 = vector.broadcast %and3A : i32 to vector<16xi32>
          %and3A_171 = arith.andi %get3A_167, %and3A_170 : vector<16xi32>
          %bitcast_convert_type3A_172 = tpu.bitcast %and3A_171 : vector<16xi32> -> vector<16xf32>
          %add3A_173 = arith.addf %scan3A_152, %bitcast_convert_type3A : vector<16xf32>
          %add3A_174 = arith.addf %scan3A_153, %bitcast_convert_type3A_172 : vector<16xf32>
          %add3A_175 = arith.constant 0 : i32
          %add3A_176 = arith.addi %add3A_162, %add3A_175 : i32
          %get3A_177 = arith.index_cast %add3A_176 : i32 to index
          %get3A_178 = arith.constant 16 : index
          %get3A_179 = tpu.vector_load %arg8[%get3A_177, %get3A_178] {strides = array<i32>} : memref<800x64xi32, #tpu.memory_space<vmem>>, vector<1x16xi32>,
          %get3A_180 = vector.shape_cast %get3A_179 : vector<1x16xi32> to vector<16xi32>
          %shift_left3A_181 = arith.constant 16 : i32
          %shift_left3A_182 = vector.broadcast %shift_left3A_181 : i32 to vector<16xi32>
          %shift_left3A_183 = arith.shli %get3A_180, %shift_left3A_182 : vector<16xi32>
          %bitcast_convert_type3A_184 = tpu.bitcast %shift_left3A_183 : vector<16xi32> -> vector<16xf32>
          %and3A_185 = arith.constant -65536 : i32
          %and3A_186 = vector.broadcast %and3A_185 : i32 to vector<16xi32>
          %and3A_187 = arith.andi %get3A_180, %and3A_186 : vector<16xi32>
          %bitcast_convert_type3A_188 = tpu.bitcast %and3A_187 : vector<16xi32> -> vector<16xf32>
          %add3A_189 = arith.addf %scan3A_154, %bitcast_convert_type3A_184 : vector<16xf32>
          %add3A_190 = arith.addf %scan3A_155, %bitcast_convert_type3A_188 : vector<16xf32>
          %add3A_191 = arith.constant 0 : i32
          %add3A_192 = arith.addi %add3A_162, %add3A_191 : i32
          %get3A_193 = arith.index_cast %add3A_192 : i32 to index
          %get3A_194 = arith.constant 32 : index
          %get3A_195 = tpu.vector_load %arg8[%get3A_193, %get3A_194] {strides = array<i32>} : memref<800x64xi32, #tpu.memory_space<vmem>>, vector<1x16xi32>,
          %get3A_196 = vector.shape_cast %get3A_195 : vector<1x16xi32> to vector<16xi32>
          %shift_left3A_197 = arith.constant 16 : i32
          %shift_left3A_198 = vector.broadcast %shift_left3A_197 : i32 to vector<16xi32>
          %shift_left3A_199 = arith.shli %get3A_196, %shift_left3A_198 : vector<16xi32>
          %bitcast_convert_type3A_200 = tpu.bitcast %shift_left3A_199 : vector<16xi32> -> vector<16xf32>
          %and3A_201 = arith.constant -65536 : i32
          %and3A_202 = vector.broadcast %and3A_201 : i32 to vector<16xi32>
          %and3A_203 = arith.andi %get3A_196, %and3A_202 : vector<16xi32>
          %bitcast_convert_type3A_204 = tpu.bitcast %and3A_203 : vector<16xi32> -> vector<16xf32>
          %add3A_205 = arith.addf %scan3A_156, %bitcast_convert_type3A_200 : vector<16xf32>
          %add3A_206 = arith.addf %scan3A_157, %bitcast_convert_type3A_204 : vector<16xf32>
          %add3A_207 = arith.constant 0 : i32
          %add3A_208 = arith.addi %add3A_162, %add3A_207 : i32
          %get3A_209 = arith.index_cast %add3A_208 : i32 to index
          %get3A_210 = arith.constant 48 : index
          %get3A_211 = tpu.vector_load %arg8[%get3A_209, %get3A_210] {strides = array<i32>} : memref<800x64xi32, #tpu.memory_space<vmem>>, vector<1x16xi32>,
          %get3A_212 = vector.shape_cast %get3A_211 : vector<1x16xi32> to vector<16xi32>
          %shift_left3A_213 = arith.constant 16 : i32
          %shift_left3A_214 = vector.broadcast %shift_left3A_213 : i32 to vector<16xi32>
          %shift_left3A_215 = arith.shli %get3A_212, %shift_left3A_214 : vector<16xi32>
          %bitcast_convert_type3A_216 = tpu.bitcast %shift_left3A_215 : vector<16xi32> -> vector<16xf32>
          %and3A_217 = arith.constant -65536 : i32
          %and3A_218 = vector.broadcast %and3A_217 : i32 to vector<16xi32>
          %and3A_219 = arith.andi %get3A_212, %and3A_218 : vector<16xi32>
          %bitcast_convert_type3A_220 = tpu.bitcast %and3A_219 : vector<16xi32> -> vector<16xf32>
          %add3A_221 = arith.addf %scan3A_158, %bitcast_convert_type3A_216 : vector<16xf32>
          %add3A_222 = arith.addf %scan3A_159, %bitcast_convert_type3A_220 : vector<16xf32>
          %add3A_223 = arith.constant 1 : i32
          %add3A_224 = arith.addi %add3A_162, %add3A_223 : i32
          %get3A_225 = arith.index_cast %add3A_224 : i32 to index
          %get3A_226 = arith.constant 0 : index
          %get3A_227 = tpu.vector_load %arg8[%get3A_225, %get3A_226] {strides = array<i32>} : memref<800x64xi32, #tpu.memory_space<vmem>>, vector<1x16xi32>,
          %get3A_228 = vector.shape_cast %get3A_227 : vector<1x16xi32> to vector<16xi32>
          %shift_left3A_229 = arith.constant 16 : i32
          %shift_left3A_230 = vector.broadcast %shift_left3A_229 : i32 to vector<16xi32>
          %shift_left3A_231 = arith.shli %get3A_228, %shift_left3A_230 : vector<16xi32>
          %bitcast_convert_type3A_232 = tpu.bitcast %shift_left3A_231 : vector<16xi32> -> vector<16xf32>
          %and3A_233 = arith.constant -65536 : i32
          %and3A_234 = vector.broadcast %and3A_233 : i32 to vector<16xi32>
          %and3A_235 = arith.andi %get3A_228, %and3A_234 : vector<16xi32>
          %bitcast_convert_type3A_236 = tpu.bitcast %and3A_235 : vector<16xi32> -> vector<16xf32>
          %add3A_237 = arith.addf %add3A_173, %bitcast_convert_type3A_232 : vector<16xf32>
          %add3A_238 = arith.addf %add3A_174, %bitcast_convert_type3A_236 : vector<16xf32>
          %add3A_239 = arith.constant 1 : i32
          %add3A_240 = arith.addi %add3A_162, %add3A_239 : i32
          %get3A_241 = arith.index_cast %add3A_240 : i32 to index
          %get3A_242 = arith.constant 16 : index
          %get3A_243 = tpu.vector_load %arg8[%get3A_241, %get3A_242] {strides = array<i32>} : memref<800x64xi32, #tpu.memory_space<vmem>>, vector<1x16xi32>,
          %get3A_244 = vector.shape_cast %get3A_243 : vector<1x16xi32> to vector<16xi32>
          %shift_left3A_245 = arith.constant 16 : i32
          %shift_left3A_246 = vector.broadcast %shift_left3A_245 : i32 to vector<16xi32>
          %shift_left3A_247 = arith.shli %get3A_244, %shift_left3A_246 : vector<16xi32>
          %bitcast_convert_type3A_248 = tpu.bitcast %shift_left3A_247 : vector<16xi32> -> vector<16xf32>
          %and3A_249 = arith.constant -65536 : i32
          %and3A_250 = vector.broadcast %and3A_249 : i32 to vector<16xi32>
          %and3A_251 = arith.andi %get3A_244, %and3A_250 : vector<16xi32>
          %bitcast_convert_type3A_252 = tpu.bitcast %and3A_251 : vector<16xi32> -> vector<16xf32>
          %add3A_253 = arith.addf %add3A_189, %bitcast_convert_type3A_248 : vector<16xf32>
          %add3A_254 = arith.addf %add3A_190, %bitcast_convert_type3A_252 : vector<16xf32>
          %add3A_255 = arith.constant 1 : i32
          %add3A_256 = arith.addi %add3A_162, %add3A_255 : i32
          %get3A_257 = arith.index_cast %add3A_256 : i32 to index
          %get3A_258 = arith.constant 32 : index
          %get3A_259 = tpu.vector_load %arg8[%get3A_257, %get3A_258] {strides = array<i32>} : memref<800x64xi32, #tpu.memory_space<vmem>>, vector<1x16xi32>,
          %get3A_260 = vector.shape_cast %get3A_259 : vector<1x16xi32> to vector<16xi32>
          %shift_left3A_261 = arith.constant 16 : i32
          %shift_left3A_262 = vector.broadcast %shift_left3A_261 : i32 to vector<16xi32>
          %shift_left3A_263 = arith.shli %get3A_260, %shift_left3A_262 : vector<16xi32>
          %bitcast_convert_type3A_264 = tpu.bitcast %shift_left3A_263 : vector<16xi32> -> vector<16xf32>
          %and3A_265 = arith.constant -65536 : i32
          %and3A_266 = vector.broadcast %and3A_265 : i32 to vector<16xi32>
          %and3A_267 = arith.andi %get3A_260, %and3A_266 : vector<16xi32>
          %bitcast_convert_type3A_268 = tpu.bitcast %and3A_267 : vector<16xi32> -> vector<16xf32>
          %add3A_269 = arith.addf %add3A_205, %bitcast_convert_type3A_264 : vector<16xf32>
          %add3A_270 = arith.addf %add3A_206, %bitcast_convert_type3A_268 : vector<16xf32>
          %add3A_271 = arith.constant 1 : i32
          %add3A_272 = arith.addi %add3A_162, %add3A_271 : i32
          %get3A_273 = arith.index_cast %add3A_272 : i32 to index
          %get3A_274 = arith.constant 48 : index
          %get3A_275 = tpu.vector_load %arg8[%get3A_273, %get3A_274] {strides = array<i32>} : memref<800x64xi32, #tpu.memory_space<vmem>>, vector<1x16xi32>,
          %get3A_276 = vector.shape_cast %get3A_275 : vector<1x16xi32> to vector<16xi32>
          %shift_left3A_277 = arith.constant 16 : i32
          %shift_left3A_278 = vector.broadcast %shift_left3A_277 : i32 to vector<16xi32>
          %shift_left3A_279 = arith.shli %get3A_276, %shift_left3A_278 : vector<16xi32>
          %bitcast_convert_type3A_280 = tpu.bitcast %shift_left3A_279 : vector<16xi32> -> vector<16xf32>
          %and3A_281 = arith.constant -65536 : i32
          %and3A_282 = vector.broadcast %and3A_281 : i32 to vector<16xi32>
          %and3A_283 = arith.andi %get3A_276, %and3A_282 : vector<16xi32>
          %bitcast_convert_type3A_284 = tpu.bitcast %and3A_283 : vector<16xi32> -> vector<16xf32>
          %add3A_285 = arith.addf %add3A_221, %bitcast_convert_type3A_280 : vector<16xf32>
          %add3A_286 = arith.addf %add3A_222, %bitcast_convert_type3A_284 : vector<16xf32>
          %add3A_287 = arith.constant 2 : i32
          %add3A_288 = arith.addi %add3A_162, %add3A_287 : i32
          %get3A_289 = arith.index_cast %add3A_288 : i32 to index
          %get3A_290 = arith.constant 0 : index
          %get3A_291 = tpu.vector_load %arg8[%get3A_289, %get3A_290] {strides = array<i32>} : memref<800x64xi32, #tpu.memory_space<vmem>>, vector<1x16xi32>,
          %get3A_292 = vector.shape_cast %get3A_291 : vector<1x16xi32> to vector<16xi32>
          %shift_left3A_293 = arith.constant 16 : i32
          %shift_left3A_294 = vector.broadcast %shift_left3A_293 : i32 to vector<16xi32>
          %shift_left3A_295 = arith.shli %get3A_292, %shift_left3A_294 : vector<16xi32>
          %bitcast_convert_type3A_296 = tpu.bitcast %shift_left3A_295 : vector<16xi32> -> vector<16xf32>
          %and3A_297 = arith.constant -65536 : i32
          %and3A_298 = vector.broadcast %and3A_297 : i32 to vector<16xi32>
          %and3A_299 = arith.andi %get3A_292, %and3A_298 : vector<16xi32>
          %bitcast_convert_type3A_300 = tpu.bitcast %and3A_299 : vector<16xi32> -> vector<16xf32>
          %add3A_301 = arith.addf %add3A_237, %bitcast_convert_type3A_296 : vector<16xf32>
          %add3A_302 = arith.addf %add3A_238, %bitcast_convert_type3A_300 : vector<16xf32>
          %add3A_303 = arith.constant 2 : i32
          %add3A_304 = arith.addi %add3A_162, %add3A_303 : i32
          %get3A_305 = arith.index_cast %add3A_304 : i32 to index
          %get3A_306 = arith.constant 16 : index
          %get3A_307 = tpu.vector_load %arg8[%get3A_305, %get3A_306] {strides = array<i32>} : memref<800x64xi32, #tpu.memory_space<vmem>>, vector<1x16xi32>,
          %get3A_308 = vector.shape_cast %get3A_307 : vector<1x16xi32> to vector<16xi32>
          %shift_left3A_309 = arith.constant 16 : i32
          %shift_left3A_310 = vector.broadcast %shift_left3A_309 : i32 to vector<16xi32>
          %shift_left3A_311 = arith.shli %get3A_308, %shift_left3A_310 : vector<16xi32>
          %bitcast_convert_type3A_312 = tpu.bitcast %shift_left3A_311 : vector<16xi32> -> vector<16xf32>
          %and3A_313 = arith.constant -65536 : i32
          %and3A_314 = vector.broadcast %and3A_313 : i32 to vector<16xi32>
          %and3A_315 = arith.andi %get3A_308, %and3A_314 : vector<16xi32>
          %bitcast_convert_type3A_316 = tpu.bitcast %and3A_315 : vector<16xi32> -> vector<16xf32>
          %add3A_317 = arith.addf %add3A_253, %bitcast_convert_type3A_312 : vector<16xf32>
          %add3A_318 = arith.addf %add3A_254, %bitcast_convert_type3A_316 : vector<16xf32>
          %add3A_319 = arith.constant 2 : i32
          %add3A_320 = arith.addi %add3A_162, %add3A_319 : i32
          %get3A_321 = arith.index_cast %add3A_320 : i32 to index
          %get3A_322 = arith.constant 32 : index
          %get3A_323 = tpu.vector_load %arg8[%get3A_321, %get3A_322] {strides = array<i32>} : memref<800x64xi32, #tpu.memory_space<vmem>>, vector<1x16xi32>,
          %get3A_324 = vector.shape_cast %get3A_323 : vector<1x16xi32> to vector<16xi32>
          %shift_left3A_325 = arith.constant 16 : i32
          %shift_left3A_326 = vector.broadcast %shift_left3A_325 : i32 to vector<16xi32>
          %shift_left3A_327 = arith.shli %get3A_324, %shift_left3A_326 : vector<16xi32>
          %bitcast_convert_type3A_328 = tpu.bitcast %shift_left3A_327 : vector<16xi32> -> vector<16xf32>
          %and3A_329 = arith.constant -65536 : i32
          %and3A_330 = vector.broadcast %and3A_329 : i32 to vector<16xi32>
          %and3A_331 = arith.andi %get3A_324, %and3A_330 : vector<16xi32>
          %bitcast_convert_type3A_332 = tpu.bitcast %and3A_331 : vector<16xi32> -> vector<16xf32>
          %add3A_333 = arith.addf %add3A_269, %bitcast_convert_type3A_328 : vector<16xf32>
          %add3A_334 = arith.addf %add3A_270, %bitcast_convert_type3A_332 : vector<16xf32>
          %add3A_335 = arith.constant 2 : i32
          %add3A_336 = arith.addi %add3A_162, %add3A_335 : i32
          %get3A_337 = arith.index_cast %add3A_336 : i32 to index
          %get3A_338 = arith.constant 48 : index
          %get3A_339 = tpu.vector_load %arg8[%get3A_337, %get3A_338] {strides = array<i32>} : memref<800x64xi32, #tpu.memory_space<vmem>>, vector<1x16xi32>,
          %get3A_340 = vector.shape_cast %get3A_339 : vector<1x16xi32> to vector<16xi32>
          %shift_left3A_341 = arith.constant 16 : i32
          %shift_left3A_342 = vector.broadcast %shift_left3A_341 : i32 to vector<16xi32>
          %shift_left3A_343 = arith.shli %get3A_340, %shift_left3A_342 : vector<16xi32>
          %bitcast_convert_type3A_344 = tpu.bitcast %shift_left3A_343 : vector<16xi32> -> vector<16xf32>
          %and3A_345 = arith.constant -65536 : i32
          %and3A_346 = vector.broadcast %and3A_345 : i32 to vector<16xi32>
          %and3A_347 = arith.andi %get3A_340, %and3A_346 : vector<16xi32>
          %bitcast_convert_type3A_348 = tpu.bitcast %and3A_347 : vector<16xi32> -> vector<16xf32>
          %add3A_349 = arith.addf %add3A_285, %bitcast_convert_type3A_344 : vector<16xf32>
          %add3A_350 = arith.addf %add3A_286, %bitcast_convert_type3A_348 : vector<16xf32>
          %add3A_351 = arith.constant 3 : i32
          %add3A_352 = arith.addi %add3A_162, %add3A_351 : i32
          %get3A_353 = arith.index_cast %add3A_352 : i32 to index
          %get3A_354 = arith.constant 0 : index
          %get3A_355 = tpu.vector_load %arg8[%get3A_353, %get3A_354] {strides = array<i32>} : memref<800x64xi32, #tpu.memory_space<vmem>>, vector<1x16xi32>,
          %get3A_356 = vector.shape_cast %get3A_355 : vector<1x16xi32> to vector<16xi32>
          %shift_left3A_357 = arith.constant 16 : i32
          %shift_left3A_358 = vector.broadcast %shift_left3A_357 : i32 to vector<16xi32>
          %shift_left3A_359 = arith.shli %get3A_356, %shift_left3A_358 : vector<16xi32>
          %bitcast_convert_type3A_360 = tpu.bitcast %shift_left3A_359 : vector<16xi32> -> vector<16xf32>
          %and3A_361 = arith.constant -65536 : i32
          %and3A_362 = vector.broadcast %and3A_361 : i32 to vector<16xi32>
          %and3A_363 = arith.andi %get3A_356, %and3A_362 : vector<16xi32>
          %bitcast_convert_type3A_364 = tpu.bitcast %and3A_363 : vector<16xi32> -> vector<16xf32>
          %add3A_365 = arith.addf %add3A_301, %bitcast_convert_type3A_360 : vector<16xf32>
          %add3A_366 = arith.addf %add3A_302, %bitcast_convert_type3A_364 : vector<16xf32>
          %add3A_367 = arith.constant 3 : i32
          %add3A_368 = arith.addi %add3A_162, %add3A_367 : i32
          %get3A_369 = arith.index_cast %add3A_368 : i32 to index
          %get3A_370 = arith.constant 16 : index
          %get3A_371 = tpu.vector_load %arg8[%get3A_369, %get3A_370] {strides = array<i32>} : memref<800x64xi32, #tpu.memory_space<vmem>>, vector<1x16xi32>,
          %get3A_372 = vector.shape_cast %get3A_371 : vector<1x16xi32> to vector<16xi32>
          %shift_left3A_373 = arith.constant 16 : i32
          %shift_left3A_374 = vector.broadcast %shift_left3A_373 : i32 to vector<16xi32>
          %shift_left3A_375 = arith.shli %get3A_372, %shift_left3A_374 : vector<16xi32>
          %bitcast_convert_type3A_376 = tpu.bitcast %shift_left3A_375 : vector<16xi32> -> vector<16xf32>
          %and3A_377 = arith.constant -65536 : i32
          %and3A_378 = vector.broadcast %and3A_377 : i32 to vector<16xi32>
          %and3A_379 = arith.andi %get3A_372, %and3A_378 : vector<16xi32>
          %bitcast_convert_type3A_380 = tpu.bitcast %and3A_379 : vector<16xi32> -> vector<16xf32>
          %add3A_381 = arith.addf %add3A_317, %bitcast_convert_type3A_376 : vector<16xf32>
          %add3A_382 = arith.addf %add3A_318, %bitcast_convert_type3A_380 : vector<16xf32>
          %add3A_383 = arith.constant 3 : i32
          %add3A_384 = arith.addi %add3A_162, %add3A_383 : i32
          %get3A_385 = arith.index_cast %add3A_384 : i32 to index
          %get3A_386 = arith.constant 32 : index
          %get3A_387 = tpu.vector_load %arg8[%get3A_385, %get3A_386] {strides = array<i32>} : memref<800x64xi32, #tpu.memory_space<vmem>>, vector<1x16xi32>,
          %get3A_388 = vector.shape_cast %get3A_387 : vector<1x16xi32> to vector<16xi32>
          %shift_left3A_389 = arith.constant 16 : i32
          %shift_left3A_390 = vector.broadcast %shift_left3A_389 : i32 to vector<16xi32>
          %shift_left3A_391 = arith.shli %get3A_388, %shift_left3A_390 : vector<16xi32>
          %bitcast_convert_type3A_392 = tpu.bitcast %shift_left3A_391 : vector<16xi32> -> vector<16xf32>
          %and3A_393 = arith.constant -65536 : i32
          %and3A_394 = vector.broadcast %and3A_393 : i32 to vector<16xi32>
          %and3A_395 = arith.andi %get3A_388, %and3A_394 : vector<16xi32>
          %bitcast_convert_type3A_396 = tpu.bitcast %and3A_395 : vector<16xi32> -> vector<16xf32>
          %add3A_397 = arith.addf %add3A_333, %bitcast_convert_type3A_392 : vector<16xf32>
          %add3A_398 = arith.addf %add3A_334, %bitcast_convert_type3A_396 : vector<16xf32>
          %add3A_399 = arith.constant 3 : i32
          %add3A_400 = arith.addi %add3A_162, %add3A_399 : i32
          %get3A_401 = arith.index_cast %add3A_400 : i32 to index
          %get3A_402 = arith.constant 48 : index
          %get3A_403 = tpu.vector_load %arg8[%get3A_401, %get3A_402] {strides = array<i32>} : memref<800x64xi32, #tpu.memory_space<vmem>>, vector<1x16xi32>,
          %get3A_404 = vector.shape_cast %get3A_403 : vector<1x16xi32> to vector<16xi32>
          %shift_left3A_405 = arith.constant 16 : i32
          %shift_left3A_406 = vector.broadcast %shift_left3A_405 : i32 to vector<16xi32>
          %shift_left3A_407 = arith.shli %get3A_404, %shift_left3A_406 : vector<16xi32>
          %bitcast_convert_type3A_408 = tpu.bitcast %shift_left3A_407 : vector<16xi32> -> vector<16xf32>
          %and3A_409 = arith.constant -65536 : i32
          %and3A_410 = vector.broadcast %and3A_409 : i32 to vector<16xi32>
          %and3A_411 = arith.andi %get3A_404, %and3A_410 : vector<16xi32>
          %bitcast_convert_type3A_412 = tpu.bitcast %and3A_411 : vector<16xi32> -> vector<16xf32>
          %add3A_413 = arith.addf %add3A_349, %bitcast_convert_type3A_408 : vector<16xf32>
          %add3A_414 = arith.addf %add3A_350, %bitcast_convert_type3A_412 : vector<16xf32>
          %add3A_415 = arith.constant 4 : i32
          %add3A_416 = arith.addi %add3A_162, %add3A_415 : i32
          %get3A_417 = arith.index_cast %add3A_416 : i32 to index
          %get3A_418 = arith.constant 0 : index
          %get3A_419 = tpu.vector_load %arg8[%get3A_417, %get3A_418] {strides = array<i32>} : memref<800x64xi32, #tpu.memory_space<vmem>>, vector<1x16xi32>,
          %get3A_420 = vector.shape_cast %get3A_419 : vector<1x16xi32> to vector<16xi32>
          %shift_left3A_421 = arith.constant 16 : i32
          %shift_left3A_422 = vector.broadcast %shift_left3A_421 : i32 to vector<16xi32>
          %shift_left3A_423 = arith.shli %get3A_420, %shift_left3A_422 : vector<16xi32>
          %bitcast_convert_type3A_424 = tpu.bitcast %shift_left3A_423 : vector<16xi32> -> vector<16xf32>
          %and3A_425 = arith.constant -65536 : i32
          %and3A_426 = vector.broadcast %and3A_425 : i32 to vector<16xi32>
          %and3A_427 = arith.andi %get3A_420, %and3A_426 : vector<16xi32>
          %bitcast_convert_type3A_428 = tpu.bitcast %and3A_427 : vector<16xi32> -> vector<16xf32>
          %add3A_429 = arith.addf %add3A_365, %bitcast_convert_type3A_424 : vector<16xf32>
          %add3A_430 = arith.addf %add3A_366, %bitcast_convert_type3A_428 : vector<16xf32>
          %add3A_431 = arith.constant 4 : i32
          %add3A_432 = arith.addi %add3A_162, %add3A_431 : i32
          %get3A_433 = arith.index_cast %add3A_432 : i32 to index
          %get3A_434 = arith.constant 16 : index
          %get3A_435 = tpu.vector_load %arg8[%get3A_433, %get3A_434] {strides = array<i32>} : memref<800x64xi32, #tpu.memory_space<vmem>>, vector<1x16xi32>,
          %get3A_436 = vector.shape_cast %get3A_435 : vector<1x16xi32> to vector<16xi32>
          %shift_left3A_437 = arith.constant 16 : i32
          %shift_left3A_438 = vector.broadcast %shift_left3A_437 : i32 to vector<16xi32>
          %shift_left3A_439 = arith.shli %get3A_436, %shift_left3A_438 : vector<16xi32>
          %bitcast_convert_type3A_440 = tpu.bitcast %shift_left3A_439 : vector<16xi32> -> vector<16xf32>
          %and3A_441 = arith.constant -65536 : i32
          %and3A_442 = vector.broadcast %and3A_441 : i32 to vector<16xi32>
          %and3A_443 = arith.andi %get3A_436, %and3A_442 : vector<16xi32>
          %bitcast_convert_type3A_444 = tpu.bitcast %and3A_443 : vector<16xi32> -> vector<16xf32>
          %add3A_445 = arith.addf %add3A_381, %bitcast_convert_type3A_440 : vector<16xf32>
          %add3A_446 = arith.addf %add3A_382, %bitcast_convert_type3A_444 : vector<16xf32>
          %add3A_447 = arith.constant 4 : i32
          %add3A_448 = arith.addi %add3A_162, %add3A_447 : i32
          %get3A_449 = arith.index_cast %add3A_448 : i32 to index
          %get3A_450 = arith.constant 32 : index
          %get3A_451 = tpu.vector_load %arg8[%get3A_449, %get3A_450] {strides = array<i32>} : memref<800x64xi32, #tpu.memory_space<vmem>>, vector<1x16xi32>,
          %get3A_452 = vector.shape_cast %get3A_451 : vector<1x16xi32> to vector<16xi32>
          %shift_left3A_453 = arith.constant 16 : i32
          %shift_left3A_454 = vector.broadcast %shift_left3A_453 : i32 to vector<16xi32>
          %shift_left3A_455 = arith.shli %get3A_452, %shift_left3A_454 : vector<16xi32>
          %bitcast_convert_type3A_456 = tpu.bitcast %shift_left3A_455 : vector<16xi32> -> vector<16xf32>
          %and3A_457 = arith.constant -65536 : i32
          %and3A_458 = vector.broadcast %and3A_457 : i32 to vector<16xi32>
          %and3A_459 = arith.andi %get3A_452, %and3A_458 : vector<16xi32>
          %bitcast_convert_type3A_460 = tpu.bitcast %and3A_459 : vector<16xi32> -> vector<16xf32>
          %add3A_461 = arith.addf %add3A_397, %bitcast_convert_type3A_456 : vector<16xf32>
          %add3A_462 = arith.addf %add3A_398, %bitcast_convert_type3A_460 : vector<16xf32>
          %add3A_463 = arith.constant 4 : i32
          %add3A_464 = arith.addi %add3A_162, %add3A_463 : i32
          %get3A_465 = arith.index_cast %add3A_464 : i32 to index
          %get3A_466 = arith.constant 48 : index
          %get3A_467 = tpu.vector_load %arg8[%get3A_465, %get3A_466] {strides = array<i32>} : memref<800x64xi32, #tpu.memory_space<vmem>>, vector<1x16xi32>,
          %get3A_468 = vector.shape_cast %get3A_467 : vector<1x16xi32> to vector<16xi32>
          %shift_left3A_469 = arith.constant 16 : i32
          %shift_left3A_470 = vector.broadcast %shift_left3A_469 : i32 to vector<16xi32>
          %shift_left3A_471 = arith.shli %get3A_468, %shift_left3A_470 : vector<16xi32>
          %bitcast_convert_type3A_472 = tpu.bitcast %shift_left3A_471 : vector<16xi32> -> vector<16xf32>
          %and3A_473 = arith.constant -65536 : i32
          %and3A_474 = vector.broadcast %and3A_473 : i32 to vector<16xi32>
          %and3A_475 = arith.andi %get3A_468, %and3A_474 : vector<16xi32>
          %bitcast_convert_type3A_476 = tpu.bitcast %and3A_475 : vector<16xi32> -> vector<16xf32>
          %add3A_477 = arith.addf %add3A_413, %bitcast_convert_type3A_472 : vector<16xf32>
          %add3A_478 = arith.addf %add3A_414, %bitcast_convert_type3A_476 : vector<16xf32>
          scf.yield %add3A_429, %add3A_430, %add3A_445, %add3A_446, %add3A_461, %add3A_462, %add3A_477, %add3A_478 : vector<16xf32>, vector<16xf32>, vector<16xf32>, vector<16xf32>, vector<16xf32>, vector<16xf32>, vector<16xf32>, vector<16xf32>
        }
        %scan3A_111 = arith.constant 10 : i32
        %swap3A = arith.index_cast %scan3A_88 : i32 to index
        %swap3A_112 = arith.constant 0 : index
        %swap3A_113 = tpu.vector_load %arg10[%swap3A, %swap3A_112] {strides = array<i32>} : memref<16x128xf32, #tpu.memory_space<vmem>>, vector<1x16xf32>,
        %swap3A_114 = vector.shape_cast %swap3A_113 : vector<1x16xf32> to vector<16xf32>
        %swap3A_115 = vector.shape_cast %scan3A_110#0 : vector<16xf32> to vector<1x16xf32>
        tpu.vector_store %arg10[%swap3A, %swap3A_112], %swap3A_115 {strides = array<i32>} : memref<16x128xf32, #tpu.memory_space<vmem>>, vector<1x16xf32>,
        %swap3A_116 = arith.index_cast %scan3A_88 : i32 to index
        %swap3A_117 = arith.constant 16 : index
        %swap3A_118 = tpu.vector_load %arg10[%swap3A_116, %swap3A_117] {strides = array<i32>} : memref<16x128xf32, #tpu.memory_space<vmem>>, vector<1x16xf32>,
        %swap3A_119 = vector.shape_cast %swap3A_118 : vector<1x16xf32> to vector<16xf32>
        %swap3A_120 = vector.shape_cast %scan3A_110#1 : vector<16xf32> to vector<1x16xf32>
        tpu.vector_store %arg10[%swap3A_116, %swap3A_117], %swap3A_120 {strides = array<i32>} : memref<16x128xf32, #tpu.memory_space<vmem>>, vector<1x16xf32>,
        %swap3A_121 = arith.index_cast %scan3A_88 : i32 to index
        %swap3A_122 = arith.constant 32 : index
        %swap3A_123 = tpu.vector_load %arg10[%swap3A_121, %swap3A_122] {strides = array<i32>} : memref<16x128xf32, #tpu.memory_space<vmem>>, vector<1x16xf32>,
        %swap3A_124 = vector.shape_cast %swap3A_123 : vector<1x16xf32> to vector<16xf32>
        %swap3A_125 = vector.shape_cast %scan3A_110#2 : vector<16xf32> to vector<1x16xf32>
        tpu.vector_store %arg10[%swap3A_121, %swap3A_122], %swap3A_125 {strides = array<i32>} : memref<16x128xf32, #tpu.memory_space<vmem>>, vector<1x16xf32>,
        %swap3A_126 = arith.index_cast %scan3A_88 : i32 to index
        %swap3A_127 = arith.constant 48 : index
        %swap3A_128 = tpu.vector_load %arg10[%swap3A_126, %swap3A_127] {strides = array<i32>} : memref<16x128xf32, #tpu.memory_space<vmem>>, vector<1x16xf32>,
        %swap3A_129 = vector.shape_cast %swap3A_128 : vector<1x16xf32> to vector<16xf32>
        %swap3A_130 = vector.shape_cast %scan3A_110#3 : vector<16xf32> to vector<1x16xf32>
        tpu.vector_store %arg10[%swap3A_126, %swap3A_127], %swap3A_130 {strides = array<i32>} : memref<16x128xf32, #tpu.memory_space<vmem>>, vector<1x16xf32>,
        %swap3A_131 = arith.index_cast %scan3A_88 : i32 to index
        %swap3A_132 = arith.constant 64 : index
        %swap3A_133 = tpu.vector_load %arg10[%swap3A_131, %swap3A_132] {strides = array<i32>} : memref<16x128xf32, #tpu.memory_space<vmem>>, vector<1x16xf32>,
        %swap3A_134 = vector.shape_cast %swap3A_133 : vector<1x16xf32> to vector<16xf32>
        %swap3A_135 = vector.shape_cast %scan3A_110#4 : vector<16xf32> to vector<1x16xf32>
        tpu.vector_store %arg10[%swap3A_131, %swap3A_132], %swap3A_135 {strides = array<i32>} : memref<16x128xf32, #tpu.memory_space<vmem>>, vector<1x16xf32>,
        %swap3A_136 = arith.index_cast %scan3A_88 : i32 to index
        %swap3A_137 = arith.constant 80 : index
        %swap3A_138 = tpu.vector_load %arg10[%swap3A_136, %swap3A_137] {strides = array<i32>} : memref<16x128xf32, #tpu.memory_space<vmem>>, vector<1x16xf32>,
        %swap3A_139 = vector.shape_cast %swap3A_138 : vector<1x16xf32> to vector<16xf32>
        %swap3A_140 = vector.shape_cast %scan3A_110#5 : vector<16xf32> to vector<1x16xf32>
        tpu.vector_store %arg10[%swap3A_136, %swap3A_137], %swap3A_140 {strides = array<i32>} : memref<16x128xf32, #tpu.memory_space<vmem>>, vector<1x16xf32>,
        %swap3A_141 = arith.index_cast %scan3A_88 : i32 to index
        %swap3A_142 = arith.constant 96 : index
        %swap3A_143 = tpu.vector_load %arg10[%swap3A_141, %swap3A_142] {strides = array<i32>} : memref<16x128xf32, #tpu.memory_space<vmem>>, vector<1x16xf32>,
        %swap3A_144 = vector.shape_cast %swap3A_143 : vector<1x16xf32> to vector<16xf32>
        %swap3A_145 = vector.shape_cast %scan3A_110#6 : vector<16xf32> to vector<1x16xf32>
        tpu.vector_store %arg10[%swap3A_141, %swap3A_142], %swap3A_145 {strides = array<i32>} : memref<16x128xf32, #tpu.memory_space<vmem>>, vector<1x16xf32>,
        %swap3A_146 = arith.index_cast %scan3A_88 : i32 to index
        %swap3A_147 = arith.constant 112 : index
        %swap3A_148 = tpu.vector_load %arg10[%swap3A_146, %swap3A_147] {strides = array<i32>} : memref<16x128xf32, #tpu.memory_space<vmem>>, vector<1x16xf32>,
        %swap3A_149 = vector.shape_cast %swap3A_148 : vector<1x16xf32> to vector<16xf32>
        %swap3A_150 = vector.shape_cast %scan3A_110#7 : vector<16xf32> to vector<1x16xf32>
        tpu.vector_store %arg10[%swap3A_146, %swap3A_147], %swap3A_150 {strides = array<i32>} : memref<16x128xf32, #tpu.memory_space<vmem>>, vector<1x16xf32>,
      }
      %scan3A_78 = arith.constant 16 : i32
      %add3A_79 = arith.constant 1 : i32
      %add3A_80 = arith.addi %mul3A_28, %add3A_79 : i32
      %mul3A_81 = arith.constant 16 : i32
      %mul3A_82 = arith.muli %add3A_80, %mul3A_81 : i32
      %add3A_83 = arith.addi %add3A, %mul3A_82 : i32
      %dma_start3A_84 = arith.constant 0 : i32
      %dma_start3A_85 = tpu.memref_slice %arg5[%add3A_83, %dma_start3A_84] : memref<8192x128xf32, #tpu.memory_space<hbm>> -> memref<16x128xf32, #tpu.memory_space<hbm>>
      %dma_start3A_86 = arith.constant 0 : i32
      %dma_start3A_87 = tpu.memref_slice %arg5[%add3A_83, %dma_start3A_86] : memref<8192x128xf32, #tpu.memory_space<hbm>> -> memref<16x128xf32, #tpu.memory_space<hbm>>
      tpu.enqueue_dma source(%arg10 : memref<16x128xf32, #tpu.memory_space<vmem>>) target(%dma_start3A_87 : memref<16x128xf32, #tpu.memory_space<hbm>>) target_semaphore(%arg14 : memref<!tpu.dma_semaphore, #tpu.memory_space<semaphore_mem>>)
    }
    %scan3A_18 = arith.constant 8 : i32
    %dma_wait3A = arith.constant 0 : i32
    %dma_wait3A_19 = tpu.memref_slice %arg5[%add3A, %dma_wait3A] : memref<8192x128xf32, #tpu.memory_space<hbm>> -> memref<16x128xf32, #tpu.memory_space<hbm>>
    %dma_wait3A_20 = arith.constant 0 : i32
    %dma_wait3A_21 = tpu.memref_slice %arg5[%add3A, %dma_wait3A_20] : memref<8192x128xf32, #tpu.memory_space<hbm>> -> memref<16x128xf32, #tpu.memory_space<hbm>>
    tpu.wait_dma2 semaphore(%arg13 : memref<!tpu.dma_semaphore, #tpu.memory_space<semaphore_mem>>) src(%arg9 : memref<16x128xf32, #tpu.memory_space<vmem>>) dst(%dma_wait3A_21 : memref<16x128xf32, #tpu.memory_space<hbm>>)
    %dma_wait3A_22 = arith.constant 0 : i32
    %dma_wait3A_23 = tpu.memref_slice %arg5[%add3A, %dma_wait3A_22] : memref<8192x128xf32, #tpu.memory_space<hbm>> -> memref<16x128xf32, #tpu.memory_space<hbm>>
    %dma_wait3A_24 = arith.constant 0 : i32
    %dma_wait3A_25 = tpu.memref_slice %arg5[%add3A, %dma_wait3A_24] : memref<8192x128xf32, #tpu.memory_space<hbm>> -> memref<16x128xf32, #tpu.memory_space<hbm>>
    tpu.wait_dma2 semaphore(%arg14 : memref<!tpu.dma_semaphore, #tpu.memory_space<semaphore_mem>>) src(%arg10 : memref<16x128xf32, #tpu.memory_space<vmem>>) dst(%dma_wait3A_25 : memref<16x128xf32, #tpu.memory_space<hbm>>)
    return
  }
}

module attributes {stable_mosaic.version = 14 : i64} {
  func.func @body(%arg0: i32, %arg1: memref<2648x256xf32, #tpu.memory_space<vmem>>, %arg2: memref<2648x128xi32, #tpu.memory_space<vmem>>) attributes {dimension_semantics = [#tpu.dimension_semantics<arbitrary>], iteration_bounds = array<i64: 4>, scalar_prefetch = 0 : i64, scratch_operands = 0 : i64, tpu.core_type = #tpu.core_type<tc>, window_params = [{transform_indices = @transform_0, window_bounds = array<i64: 2648, 256>}, {transform_indices = @transform_1, window_bounds = array<i64: 2648, 128>}]} {
    %get3A = arith.constant 0 : index
    %get3A_0 = arith.constant 0 : index
    %get3A_1 = vector.load %arg1[%get3A, %get3A_0] : memref<2648x256xf32, #tpu.memory_space<vmem>>, vector<2648x256xf32>
    %bitcast_convert_type3A = tpu.bitcast %get3A_1 : vector<2648x256xf32> -> vector<2648x256xi32>
    %add3A = arith.constant 32768 : i32
    %add3A_2 = vector.broadcast %add3A : i32 to vector<2648x256xi32>
    %add3A_3 = arith.addi %bitcast_convert_type3A, %add3A_2 : vector<2648x256xi32>
    %slice3A = vector.extract_strided_slice %add3A_3 {offsets = [0, 0], sizes = [2648, 16], strides = [1, 1]} : vector<2648x256xi32> to vector<2648x16xi32>
    %shift_right_logical3A = arith.constant 16 : i32
    %shift_right_logical3A_4 = vector.broadcast %shift_right_logical3A : i32 to vector<2648x16xi32>
    %shift_right_logical3A_5 = arith.shrui %slice3A, %shift_right_logical3A_4 : vector<2648x16xi32>
    %slice3A_6 = vector.extract_strided_slice %add3A_3 {offsets = [0, 16], sizes = [2648, 16], strides = [1, 1]} : vector<2648x256xi32> to vector<2648x16xi32>
    %and3A = arith.constant -65536 : i32
    %and3A_7 = vector.broadcast %and3A : i32 to vector<2648x16xi32>
    %and3A_8 = arith.andi %slice3A_6, %and3A_7 : vector<2648x16xi32>
    %or3A = arith.ori %and3A_8, %shift_right_logical3A_5 : vector<2648x16xi32>
    %slice3A_9 = vector.extract_strided_slice %add3A_3 {offsets = [0, 32], sizes = [2648, 16], strides = [1, 1]} : vector<2648x256xi32> to vector<2648x16xi32>
    %shift_right_logical3A_10 = arith.constant 16 : i32
    %shift_right_logical3A_11 = vector.broadcast %shift_right_logical3A_10 : i32 to vector<2648x16xi32>
    %shift_right_logical3A_12 = arith.shrui %slice3A_9, %shift_right_logical3A_11 : vector<2648x16xi32>
    %slice3A_13 = vector.extract_strided_slice %add3A_3 {offsets = [0, 48], sizes = [2648, 16], strides = [1, 1]} : vector<2648x256xi32> to vector<2648x16xi32>
    %and3A_14 = arith.constant -65536 : i32
    %and3A_15 = vector.broadcast %and3A_14 : i32 to vector<2648x16xi32>
    %and3A_16 = arith.andi %slice3A_13, %and3A_15 : vector<2648x16xi32>
    %or3A_17 = arith.ori %and3A_16, %shift_right_logical3A_12 : vector<2648x16xi32>
    %slice3A_18 = vector.extract_strided_slice %add3A_3 {offsets = [0, 64], sizes = [2648, 16], strides = [1, 1]} : vector<2648x256xi32> to vector<2648x16xi32>
    %shift_right_logical3A_19 = arith.constant 16 : i32
    %shift_right_logical3A_20 = vector.broadcast %shift_right_logical3A_19 : i32 to vector<2648x16xi32>
    %shift_right_logical3A_21 = arith.shrui %slice3A_18, %shift_right_logical3A_20 : vector<2648x16xi32>
    %slice3A_22 = vector.extract_strided_slice %add3A_3 {offsets = [0, 80], sizes = [2648, 16], strides = [1, 1]} : vector<2648x256xi32> to vector<2648x16xi32>
    %and3A_23 = arith.constant -65536 : i32
    %and3A_24 = vector.broadcast %and3A_23 : i32 to vector<2648x16xi32>
    %and3A_25 = arith.andi %slice3A_22, %and3A_24 : vector<2648x16xi32>
    %or3A_26 = arith.ori %and3A_25, %shift_right_logical3A_21 : vector<2648x16xi32>
    %slice3A_27 = vector.extract_strided_slice %add3A_3 {offsets = [0, 96], sizes = [2648, 16], strides = [1, 1]} : vector<2648x256xi32> to vector<2648x16xi32>
    %shift_right_logical3A_28 = arith.constant 16 : i32
    %shift_right_logical3A_29 = vector.broadcast %shift_right_logical3A_28 : i32 to vector<2648x16xi32>
    %shift_right_logical3A_30 = arith.shrui %slice3A_27, %shift_right_logical3A_29 : vector<2648x16xi32>
    %slice3A_31 = vector.extract_strided_slice %add3A_3 {offsets = [0, 112], sizes = [2648, 16], strides = [1, 1]} : vector<2648x256xi32> to vector<2648x16xi32>
    %and3A_32 = arith.constant -65536 : i32
    %and3A_33 = vector.broadcast %and3A_32 : i32 to vector<2648x16xi32>
    %and3A_34 = arith.andi %slice3A_31, %and3A_33 : vector<2648x16xi32>
    %or3A_35 = arith.ori %and3A_34, %shift_right_logical3A_30 : vector<2648x16xi32>
    %slice3A_36 = vector.extract_strided_slice %add3A_3 {offsets = [0, 128], sizes = [2648, 16], strides = [1, 1]} : vector<2648x256xi32> to vector<2648x16xi32>
    %shift_right_logical3A_37 = arith.constant 16 : i32
    %shift_right_logical3A_38 = vector.broadcast %shift_right_logical3A_37 : i32 to vector<2648x16xi32>
    %shift_right_logical3A_39 = arith.shrui %slice3A_36, %shift_right_logical3A_38 : vector<2648x16xi32>
    %slice3A_40 = vector.extract_strided_slice %add3A_3 {offsets = [0, 144], sizes = [2648, 16], strides = [1, 1]} : vector<2648x256xi32> to vector<2648x16xi32>
    %and3A_41 = arith.constant -65536 : i32
    %and3A_42 = vector.broadcast %and3A_41 : i32 to vector<2648x16xi32>
    %and3A_43 = arith.andi %slice3A_40, %and3A_42 : vector<2648x16xi32>
    %or3A_44 = arith.ori %and3A_43, %shift_right_logical3A_39 : vector<2648x16xi32>
    %slice3A_45 = vector.extract_strided_slice %add3A_3 {offsets = [0, 160], sizes = [2648, 16], strides = [1, 1]} : vector<2648x256xi32> to vector<2648x16xi32>
    %shift_right_logical3A_46 = arith.constant 16 : i32
    %shift_right_logical3A_47 = vector.broadcast %shift_right_logical3A_46 : i32 to vector<2648x16xi32>
    %shift_right_logical3A_48 = arith.shrui %slice3A_45, %shift_right_logical3A_47 : vector<2648x16xi32>
    %slice3A_49 = vector.extract_strided_slice %add3A_3 {offsets = [0, 176], sizes = [2648, 16], strides = [1, 1]} : vector<2648x256xi32> to vector<2648x16xi32>
    %and3A_50 = arith.constant -65536 : i32
    %and3A_51 = vector.broadcast %and3A_50 : i32 to vector<2648x16xi32>
    %and3A_52 = arith.andi %slice3A_49, %and3A_51 : vector<2648x16xi32>
    %or3A_53 = arith.ori %and3A_52, %shift_right_logical3A_48 : vector<2648x16xi32>
    %slice3A_54 = vector.extract_strided_slice %add3A_3 {offsets = [0, 192], sizes = [2648, 16], strides = [1, 1]} : vector<2648x256xi32> to vector<2648x16xi32>
    %shift_right_logical3A_55 = arith.constant 16 : i32
    %shift_right_logical3A_56 = vector.broadcast %shift_right_logical3A_55 : i32 to vector<2648x16xi32>
    %shift_right_logical3A_57 = arith.shrui %slice3A_54, %shift_right_logical3A_56 : vector<2648x16xi32>
    %slice3A_58 = vector.extract_strided_slice %add3A_3 {offsets = [0, 208], sizes = [2648, 16], strides = [1, 1]} : vector<2648x256xi32> to vector<2648x16xi32>
    %and3A_59 = arith.constant -65536 : i32
    %and3A_60 = vector.broadcast %and3A_59 : i32 to vector<2648x16xi32>
    %and3A_61 = arith.andi %slice3A_58, %and3A_60 : vector<2648x16xi32>
    %or3A_62 = arith.ori %and3A_61, %shift_right_logical3A_57 : vector<2648x16xi32>
    %slice3A_63 = vector.extract_strided_slice %add3A_3 {offsets = [0, 224], sizes = [2648, 16], strides = [1, 1]} : vector<2648x256xi32> to vector<2648x16xi32>
    %shift_right_logical3A_64 = arith.constant 16 : i32
    %shift_right_logical3A_65 = vector.broadcast %shift_right_logical3A_64 : i32 to vector<2648x16xi32>
    %shift_right_logical3A_66 = arith.shrui %slice3A_63, %shift_right_logical3A_65 : vector<2648x16xi32>
    %slice3A_67 = vector.extract_strided_slice %add3A_3 {offsets = [0, 240], sizes = [2648, 16], strides = [1, 1]} : vector<2648x256xi32> to vector<2648x16xi32>
    %and3A_68 = arith.constant -65536 : i32
    %and3A_69 = vector.broadcast %and3A_68 : i32 to vector<2648x16xi32>
    %and3A_70 = arith.andi %slice3A_67, %and3A_69 : vector<2648x16xi32>
    %or3A_71 = arith.ori %and3A_70, %shift_right_logical3A_66 : vector<2648x16xi32>
    %concatenate3A = tpu.concatenate %or3A, %or3A_17, %or3A_26, %or3A_35, %or3A_44, %or3A_53, %or3A_62, %or3A_71 in 1 : vector<2648x16xi32>, vector<2648x16xi32>, vector<2648x16xi32>, vector<2648x16xi32>, vector<2648x16xi32>, vector<2648x16xi32>, vector<2648x16xi32>, vector<2648x16xi32> -> vector<2648x128xi32>
    %swap3A = arith.constant 0 : index
    %swap3A_72 = arith.constant 0 : index
    %swap3A_73 = vector.load %arg2[%swap3A, %swap3A_72] : memref<2648x128xi32, #tpu.memory_space<vmem>>, vector<2648x128xi32>
    tpu.vector_store %arg2[%swap3A, %swap3A_72], %concatenate3A {strides = array<i32>} : memref<2648x128xi32, #tpu.memory_space<vmem>>, vector<2648x128xi32>,
    return
  }
  func.func @transform_0(%arg0: i32) -> (i32, i32) {
    %c0_i32 = arith.constant 0 : i32
    %c0_i32_0 = arith.constant 0 : i32
    return %arg0, %c0_i32 : i32, i32
  }
  func.func @transform_1(%arg0: i32) -> (i32, i32) {
    %c0_i32 = arith.constant 0 : i32
    %c0_i32_0 = arith.constant 0 : i32
    return %arg0, %c0_i32 : i32, i32
  }
}

module attributes {stable_mosaic.version = 14 : i64} {
  func.func @body(%arg0: i32, %arg1: memref<512x128xf32, #tpu.memory_space<vmem>>, %arg2: memref<512x128xf32, #tpu.memory_space<vmem>>, %arg3: memref<256x128xf32, #tpu.memory_space<vmem>>, %arg4: memref<1x256xf32, #tpu.memory_space<vmem>>, %arg5: memref<128x256xf32, #tpu.memory_space<vmem>>, %arg6: memref<1x128xf32, #tpu.memory_space<vmem>>, %arg7: memref<64x128xf32, #tpu.memory_space<vmem>>, %arg8: memref<1x64xf32, #tpu.memory_space<vmem>>, %arg9: memref<512x1xf32, #tpu.memory_space<vmem>>) attributes {dimension_semantics = [#tpu.dimension_semantics<arbitrary>], iteration_bounds = array<i64: 8>, scalar_prefetch = 0 : i64, scratch_operands = 0 : i64, tpu.core_type = #tpu.core_type<tc>, window_params = [{transform_indices = @transform_0, window_bounds = array<i64: 512, 128>}, {transform_indices = @transform_1, window_bounds = array<i64: 512, 128>}, {pipeline_mode = #tpu.pipeline_mode<synchronous>, transform_indices = @transform_2, window_bounds = array<i64: 256, 128>}, {pipeline_mode = #tpu.pipeline_mode<synchronous>, transform_indices = @transform_3, window_bounds = array<i64: 1, 256>}, {pipeline_mode = #tpu.pipeline_mode<synchronous>, transform_indices = @transform_4, window_bounds = array<i64: 128, 256>}, {pipeline_mode = #tpu.pipeline_mode<synchronous>, transform_indices = @transform_5, window_bounds = array<i64: 1, 128>}, {pipeline_mode = #tpu.pipeline_mode<synchronous>, transform_indices = @transform_6, window_bounds = array<i64: 64, 128>}, {pipeline_mode = #tpu.pipeline_mode<synchronous>, transform_indices = @transform_7, window_bounds = array<i64: 1, 64>}, {transform_indices = @transform_8, window_bounds = array<i64: 512, 1>}]} {
    %get3A = arith.constant 0 : index
    %get3A_0 = arith.constant 0 : index
    %get3A_1 = vector.load %arg1[%get3A, %get3A_0] : memref<512x128xf32, #tpu.memory_space<vmem>>, vector<512x128xf32>
    %get3A_2 = arith.constant 0 : index
    %get3A_3 = arith.constant 0 : index
    %get3A_4 = vector.load %arg3[%get3A_2, %get3A_3] : memref<256x128xf32, #tpu.memory_space<vmem>>, vector<256x128xf32>
    %dot_general3A = arith.constant dense<0.000000e+00> : vector<512x256xf32>
    %dot_general3A_5 = tpu.matmul %get3A_1, %get3A_4, %dot_general3A {dimension_numbers = #tpu.dot_dimension_numbers<[1], [1], [0], [0], [0, 0, 1, 0], [], []>, transpose_lhs_hint = false} : vector<512x128xf32>, vector<256x128xf32>, vector<512x256xf32> -> vector<512x256xf32>
    %get3A_6 = arith.constant 0 : index
    %get3A_7 = arith.constant 0 : index
    %get3A_8 = vector.load %arg4[%get3A_6, %get3A_7] : memref<1x256xf32, #tpu.memory_space<vmem>>, vector<1x256xf32>
    %add3A = vector.broadcast %get3A_8 : vector<1x256xf32> to vector<512x256xf32>
    %add3A_9 = arith.addf %dot_general3A_5, %add3A : vector<512x256xf32>
    %tanh3A = math.tanh %add3A_9 : vector<512x256xf32>
    %get3A_10 = arith.constant 0 : index
    %get3A_11 = arith.constant 0 : index
    %get3A_12 = vector.load %arg5[%get3A_10, %get3A_11] : memref<128x256xf32, #tpu.memory_space<vmem>>, vector<128x256xf32>
    %dot_general3A_13 = arith.constant dense<0.000000e+00> : vector<512x128xf32>
    %dot_general3A_14 = tpu.matmul %tanh3A, %get3A_12, %dot_general3A_13 {dimension_numbers = #tpu.dot_dimension_numbers<[1], [1], [0], [0], [0, 0, 1, 0], [], []>, transpose_lhs_hint = false} : vector<512x256xf32>, vector<128x256xf32>, vector<512x128xf32> -> vector<512x128xf32>
    %get3A_15 = arith.constant 0 : index
    %get3A_16 = arith.constant 0 : index
    %get3A_17 = vector.load %arg6[%get3A_15, %get3A_16] : memref<1x128xf32, #tpu.memory_space<vmem>>, vector<1x128xf32>
    %add3A_18 = vector.broadcast %get3A_17 : vector<1x128xf32> to vector<512x128xf32>
    %add3A_19 = arith.addf %dot_general3A_14, %add3A_18 : vector<512x128xf32>
    %tanh3A_20 = math.tanh %add3A_19 : vector<512x128xf32>
    %get3A_21 = arith.constant 0 : index
    %get3A_22 = arith.constant 0 : index
    %get3A_23 = vector.load %arg7[%get3A_21, %get3A_22] : memref<64x128xf32, #tpu.memory_space<vmem>>, vector<64x128xf32>
    %dot_general3A_24 = arith.constant dense<0.000000e+00> : vector<512x64xf32>
    %dot_general3A_25 = tpu.matmul %tanh3A_20, %get3A_23, %dot_general3A_24 {dimension_numbers = #tpu.dot_dimension_numbers<[1], [1], [0], [0], [0, 0, 1, 0], [], []>, transpose_lhs_hint = false} : vector<512x128xf32>, vector<64x128xf32>, vector<512x64xf32> -> vector<512x64xf32>
    %get3A_26 = arith.constant 0 : index
    %get3A_27 = arith.constant 0 : index
    %get3A_28 = vector.load %arg8[%get3A_26, %get3A_27] : memref<1x64xf32, #tpu.memory_space<vmem>>, vector<1x64xf32>
    %add3A_29 = vector.broadcast %get3A_28 : vector<1x64xf32> to vector<512x64xf32>
    %add3A_30 = arith.addf %dot_general3A_25, %add3A_29 : vector<512x64xf32>
    %tanh3A_31 = math.tanh %add3A_30 : vector<512x64xf32>
    %get3A_32 = arith.constant 0 : index
    %get3A_33 = arith.constant 0 : index
    %get3A_34 = vector.load %arg2[%get3A_32, %get3A_33] : memref<512x128xf32, #tpu.memory_space<vmem>>, vector<512x128xf32>
    %get3A_35 = arith.constant 0 : index
    %get3A_36 = arith.constant 0 : index
    %get3A_37 = vector.load %arg3[%get3A_35, %get3A_36] : memref<256x128xf32, #tpu.memory_space<vmem>>, vector<256x128xf32>
    %dot_general3A_38 = arith.constant dense<0.000000e+00> : vector<512x256xf32>
    %dot_general3A_39 = tpu.matmul %get3A_34, %get3A_37, %dot_general3A_38 {dimension_numbers = #tpu.dot_dimension_numbers<[1], [1], [0], [0], [0, 0, 1, 0], [], []>, transpose_lhs_hint = false} : vector<512x128xf32>, vector<256x128xf32>, vector<512x256xf32> -> vector<512x256xf32>
    %get3A_40 = arith.constant 0 : index
    %get3A_41 = arith.constant 0 : index
    %get3A_42 = vector.load %arg4[%get3A_40, %get3A_41] : memref<1x256xf32, #tpu.memory_space<vmem>>, vector<1x256xf32>
    %add3A_43 = vector.broadcast %get3A_42 : vector<1x256xf32> to vector<512x256xf32>
    %add3A_44 = arith.addf %dot_general3A_39, %add3A_43 : vector<512x256xf32>
    %tanh3A_45 = math.tanh %add3A_44 : vector<512x256xf32>
    %get3A_46 = arith.constant 0 : index
    %get3A_47 = arith.constant 0 : index
    %get3A_48 = vector.load %arg5[%get3A_46, %get3A_47] : memref<128x256xf32, #tpu.memory_space<vmem>>, vector<128x256xf32>
    %dot_general3A_49 = arith.constant dense<0.000000e+00> : vector<512x128xf32>
    %dot_general3A_50 = tpu.matmul %tanh3A_45, %get3A_48, %dot_general3A_49 {dimension_numbers = #tpu.dot_dimension_numbers<[1], [1], [0], [0], [0, 0, 1, 0], [], []>, transpose_lhs_hint = false} : vector<512x256xf32>, vector<128x256xf32>, vector<512x128xf32> -> vector<512x128xf32>
    %get3A_51 = arith.constant 0 : index
    %get3A_52 = arith.constant 0 : index
    %get3A_53 = vector.load %arg6[%get3A_51, %get3A_52] : memref<1x128xf32, #tpu.memory_space<vmem>>, vector<1x128xf32>
    %add3A_54 = vector.broadcast %get3A_53 : vector<1x128xf32> to vector<512x128xf32>
    %add3A_55 = arith.addf %dot_general3A_50, %add3A_54 : vector<512x128xf32>
    %tanh3A_56 = math.tanh %add3A_55 : vector<512x128xf32>
    %get3A_57 = arith.constant 0 : index
    %get3A_58 = arith.constant 0 : index
    %get3A_59 = vector.load %arg7[%get3A_57, %get3A_58] : memref<64x128xf32, #tpu.memory_space<vmem>>, vector<64x128xf32>
    %dot_general3A_60 = arith.constant dense<0.000000e+00> : vector<512x64xf32>
    %dot_general3A_61 = tpu.matmul %tanh3A_56, %get3A_59, %dot_general3A_60 {dimension_numbers = #tpu.dot_dimension_numbers<[1], [1], [0], [0], [0, 0, 1, 0], [], []>, transpose_lhs_hint = false} : vector<512x128xf32>, vector<64x128xf32>, vector<512x64xf32> -> vector<512x64xf32>
    %get3A_62 = arith.constant 0 : index
    %get3A_63 = arith.constant 0 : index
    %get3A_64 = vector.load %arg8[%get3A_62, %get3A_63] : memref<1x64xf32, #tpu.memory_space<vmem>>, vector<1x64xf32>
    %add3A_65 = vector.broadcast %get3A_64 : vector<1x64xf32> to vector<512x64xf32>
    %add3A_66 = arith.addf %dot_general3A_61, %add3A_65 : vector<512x64xf32>
    %tanh3A_67 = math.tanh %add3A_66 : vector<512x64xf32>
    %mul3A = arith.mulf %tanh3A_31, %tanh3A_31 : vector<512x64xf32>
    %reduce_sum3A = arith.constant dense<0.000000e+00> : vector<512xf32>
    %reduce_sum3A_68 = vector.multi_reduction <add>, %mul3A, %reduce_sum3A [1] : vector<512x64xf32> to vector<512xf32>
    %broadcast_in_dim3A = vector.shape_cast %reduce_sum3A_68 : vector<512xf32> to vector<512x1xf32>
    %sqrt3A = math.sqrt %broadcast_in_dim3A : vector<512x1xf32>
    %max3A = arith.constant 9.99999993E-9 : f32
    %max3A_69 = vector.broadcast %max3A : f32 to vector<512x1xf32>
    %max3A_70 = arith.maximumf %sqrt3A, %max3A_69 : vector<512x1xf32>
    %mul3A_71 = arith.mulf %tanh3A_67, %tanh3A_67 : vector<512x64xf32>
    %reduce_sum3A_72 = arith.constant dense<0.000000e+00> : vector<512xf32>
    %reduce_sum3A_73 = vector.multi_reduction <add>, %mul3A_71, %reduce_sum3A_72 [1] : vector<512x64xf32> to vector<512xf32>
    %broadcast_in_dim3A_74 = vector.shape_cast %reduce_sum3A_73 : vector<512xf32> to vector<512x1xf32>
    %sqrt3A_75 = math.sqrt %broadcast_in_dim3A_74 : vector<512x1xf32>
    %max3A_76 = arith.constant 9.99999993E-9 : f32
    %max3A_77 = vector.broadcast %max3A_76 : f32 to vector<512x1xf32>
    %max3A_78 = arith.maximumf %sqrt3A_75, %max3A_77 : vector<512x1xf32>
    %mul3A_79 = arith.mulf %tanh3A_31, %tanh3A_67 : vector<512x64xf32>
    %reduce_sum3A_80 = arith.constant dense<0.000000e+00> : vector<512xf32>
    %reduce_sum3A_81 = vector.multi_reduction <add>, %mul3A_79, %reduce_sum3A_80 [1] : vector<512x64xf32> to vector<512xf32>
    %broadcast_in_dim3A_82 = vector.shape_cast %reduce_sum3A_81 : vector<512xf32> to vector<512x1xf32>
    %mul3A_83 = arith.mulf %max3A_70, %max3A_78 : vector<512x1xf32>
    %div3A = arith.divf %broadcast_in_dim3A_82, %mul3A_83 : vector<512x1xf32>
    %swap3A = arith.constant 0 : index
    %swap3A_84 = arith.constant 0 : index
    %swap3A_85 = vector.load %arg9[%swap3A, %swap3A_84] : memref<512x1xf32, #tpu.memory_space<vmem>>, vector<512x1xf32>
    tpu.vector_store %arg9[%swap3A, %swap3A_84], %div3A {strides = array<i32>} : memref<512x1xf32, #tpu.memory_space<vmem>>, vector<512x1xf32>,
    return
  }
  func.func @transform_0(%arg0: i32) -> (i32, i32) {
    %c0_i32 = arith.constant 0 : i32
    %c0_i32_0 = arith.constant 0 : i32
    return %arg0, %c0_i32 : i32, i32
  }
  func.func @transform_1(%arg0: i32) -> (i32, i32) {
    %add3A = arith.constant 8 : i32
    %add3A_0 = arith.addi %arg0, %add3A : i32
    %c0_i32 = arith.constant 0 : i32
    %c0_i32_1 = arith.constant 0 : i32
    return %add3A_0, %c0_i32 : i32, i32
  }
  func.func @transform_2(%arg0: i32) -> (i32, i32) {
    %c0_i32 = arith.constant 0 : i32
    %c0_i32_0 = arith.constant 0 : i32
    %c0_i32_1 = arith.constant 0 : i32
    return %c0_i32, %c0_i32_0 : i32, i32
  }
  func.func @transform_3(%arg0: i32) -> (i32, i32) {
    %c0_i32 = arith.constant 0 : i32
    %c0_i32_0 = arith.constant 0 : i32
    %c0_i32_1 = arith.constant 0 : i32
    return %c0_i32, %c0_i32_0 : i32, i32
  }
  func.func @transform_4(%arg0: i32) -> (i32, i32) {
    %c0_i32 = arith.constant 0 : i32
    %c0_i32_0 = arith.constant 0 : i32
    %c0_i32_1 = arith.constant 0 : i32
    return %c0_i32, %c0_i32_0 : i32, i32
  }
  func.func @transform_5(%arg0: i32) -> (i32, i32) {
    %c0_i32 = arith.constant 0 : i32
    %c0_i32_0 = arith.constant 0 : i32
    %c0_i32_1 = arith.constant 0 : i32
    return %c0_i32, %c0_i32_0 : i32, i32
  }
  func.func @transform_6(%arg0: i32) -> (i32, i32) {
    %c0_i32 = arith.constant 0 : i32
    %c0_i32_0 = arith.constant 0 : i32
    %c0_i32_1 = arith.constant 0 : i32
    return %c0_i32, %c0_i32_0 : i32, i32
  }
  func.func @transform_7(%arg0: i32) -> (i32, i32) {
    %c0_i32 = arith.constant 0 : i32
    %c0_i32_0 = arith.constant 0 : i32
    %c0_i32_1 = arith.constant 0 : i32
    return %c0_i32, %c0_i32_0 : i32, i32
  }
  func.func @transform_8(%arg0: i32) -> (i32, i32) {
    %c0_i32 = arith.constant 0 : i32
    %c0_i32_0 = arith.constant 0 : i32
    return %arg0, %c0_i32 : i32, i32
  }
}

</mosaic_0001>

<sc_bundles>
// kernel: kernel.5.cloned.1.call-start
scs
__scs_entry_jumppad:
0x0: {  	(pc) =	sbr.rel $0x88, $3  }
0x1: {  	(tag) =	ssettag $0x0;
	lr =	simm.s32 $0x1  }
0x2: {  	[smem:$0x3F98] =	sst lr;
	_ =	strace $0xD0000000  }
0x3: {  	_ = 	snop  }
0x4: {  	_ = 	snop  }
0x5: {  	_ = 	snop  }
0x6: {  	_ = 	snop  }
0x7: {  	_ = 	snop  }
__scs_overlays_trampoline_lowered:
0x8: {  	[smem:$0x3FA7] =	sst s0  }
0x9: {  	[smem:$0x3FA8] =	sst s1  }
0xa: {  	[smem:$0x3FA9] =	sst s2  }
0xb: {  	[smem:$0x3FAA] =	sst s3  }
0xc: {  	[smem:$0x3FAB] =	sst s4  }
0xd: {  	[smem:$0x3FAC] =	sst s5  }
0xe: {  	[smem:$0x3FAD] =	sst s6  }
0xf: {  	[smem:$0x3FAE] =	sst s7  }
0x10: {  	[smem:$0x3FAF] =	sst s8  }
0x11: {  	[smem:$0x3FB0] =	sst s9;
	s0 =	simm.s32 @!p0 $0x0  }
0x12: {  	s1 =	sld [smem:$0x3F96];
	s0 =	simm.s32 @p0 $0x1  }
0x13: {  	[smem:$0x3FB1] =	sst s0;
	s0 =	simm.s32 @!p1 $0x0  }
0x14: {  	s2 =	sld [smem:$0x3F95];
	s0 =	simm.s32 @p1 $0x1  }
0x15: {  	[smem:$0x3FB2] =	sst s0;
	s0 =	simm.s32 @!p2 $0x0  }
0x16: {  	s3 =	sld [smem:$0x3FDB];
	s0 =	simm.s32 @p2 $0x1  }
0x17: {  	s4 =	simm.s32 $0x1BF5;
	[smem:$0x3FB4] =	sst s0  }
0x18: {  	s0 =	sld [smem:$0x3F97];
	_ =	swait.ge [sflag:s4], $0x0  }
0x19: {  	s7 =	sld [smem:$0x3F98]  }
0x1a: {  	s8 =	sadd.s32 $0xFFFFE003, lr  }
0x1b: {  	s9 =	sadd.s32 $0xFFFFFEF7, lr;
	s5 =	simm.s32 $0xFFFFFFFF;
	p2 =	slt.u32 s8, $0xFFFFF086  }
0x1c: {  	p1 =	slt.u32 s9, $0xF7A;
	s5 =	simm.s32 @!p2 $0x0  }
0x1d: {  	s5 =	simm.s32 @p1 $0x1;
	p0 =	seq.s32 s7, s2  }
0x1e: {  	s7 =	smul.u32 @!p0 $0xF7A, s2;
	p2 =	seq.s32 @!p0 s5, $0x0  }
0x1f: {  	s9 =	smul.u32 $0xF7A, s1;
	s8 =	simm.s32 @!p0 $0x1BF5;
	p2 =	por !p2, p0  }
0x20: {  	[sflag:s8] =	ssyncset.s32 @!p0 $0xFFFFF086;
	s6 =	sadd.s32 @!p0 s3, s7;
	s7 =	simm.s32 @!p0 $0x108  }
0x21: {  	s3 =	sadd.s32 s3, s9;
	s6 =	sadd.s32 @!p0 $0x88, s6;
	s7 =	simm.s32 @p2 $0x1082  }
0x22: {  	[simem:s7], [sflag:s8] =	dma.local @!p0 [hbm:s6], $0xF7A  }
0x23: {  	s9 =	sor.u32 $0xD0000000, s2;
	s6 =	simm.s32 $0x108;
	_ =	swait.ge @!p0 [sflag:s8], $0x0  }
0x24: {  	s3 =	sadd.s32 $0x88, s3;
	s6 =	simm.s32 @!p1 $0x1082;
	[sflag:s4] =	ssyncset.s32 $0xFFFFF086  }
0x25: {  	[simem:s6], [sflag:s4] =	dma.local [hbm:s3], $0xF7A  }
0x26: {  	[smem:$0x3F98] =	sst s1;
	(tag) =	ssettag s2;
	_ =	strace s9  }
0x27: {  	s1 =	sld [smem:$0x3FA8]  }
0x28: {  	s2 =	sld [smem:$0x3FA9]  }
0x29: {  	s4 =	sld [smem:$0x3FAB]  }
0x2a: {  	p0 =	seq.s32 s5, $0x0;
	s5 =	sld [smem:$0x3FAC]  }
0x2b: {  	s6 =	sld [smem:$0x3FAD]  }
0x2c: {  	s7 =	sld [smem:$0x3FAE]  }
0x2d: {  	s3 =	simm.s32 $0x108;
	s8 =	sld [smem:$0x3FAF]  }
0x2e: {  	s3 =	simm.s32 @!p0 $0x1082;
	s9 =	sld [smem:$0x3FB0]  }
0x2f: {  	lr =	sadd.s32 s0, s3;
	s0 =	sld [smem:$0x3FA7]  }
0x30: {  	s3 =	sld [smem:$0x3FAA]  }
0x31: {  	[smem:$0x3FB3] =	sst s10  }
0x32: {  	s10 =	sld [smem:$0x3FB1];
	_ =	sdelay $0x3  }
0x33: {  	p0 =	seq.s32 s10, $0x1;
	s10 =	sld [smem:$0x3FB3];
	_ =	sdelay $0x3  }
0x34: {  	[smem:$0x3FB3] =	sst s10  }
0x35: {  	s10 =	sld [smem:$0x3FB2];
	_ =	sdelay $0x3  }
0x36: {  	p1 =	seq.s32 s10, $0x1;
	s10 =	sld [smem:$0x3FB3];
	_ =	sdelay $0x3  }
0x37: {  	[smem:$0x3FB3] =	sst s10  }
0x38: {  	s10 =	sld [smem:$0x3FB4]  }
0x39: {  	_ = 	snop;
	(pc) =	sbr.ind lr, $3  }
0x3a: {  	_ = 	snop  }
0x3b: {  	_ = 	snop  }
0x3c: {  	p2 =	seq.s32 s10, $0x1;
	s10 =	sld [smem:$0x3FB3]  }
0x3d: {  	_ =	shalt  }
0x3e: {  	_ =	shalt  }
0x3f: {  	_ =	shalt  }
0x40: {  	_ =	shalt  }
0x41: {  	_ =	shalt  }
0x42: {  	_ =	shalt  }
0x43: {  	_ =	shalt  }
0x44: {  	_ =	shalt  }
0x45: {  	_ =	shalt  }
0x46: {  	_ =	shalt  }
0x47: {  	_ =	shalt  }
0x48: {  	_ =	shalt  }
0x49: {  	_ =	shalt  }
0x4a: {  	_ =	shalt  }
0x4b: {  	_ =	shalt  }
0x4c: {  	_ =	shalt  }
0x4d: {  	_ =	shalt  }
0x4e: {  	_ =	shalt  }
0x4f: {  	_ =	shalt  }
0x50: {  	_ =	shalt  }
0x51: {  	_ =	shalt  }
0x52: {  	_ =	shalt  }
0x53: {  	_ =	shalt  }
0x54: {  	_ =	shalt  }
0x55: {  	_ =	shalt  }
0x56: {  	_ =	shalt  }
0x57: {  	_ =	shalt  }
0x58: {  	_ =	shalt  }
0x59: {  	_ =	shalt  }
0x5a: {  	_ =	shalt  }
0x5b: {  	_ =	shalt  }
0x5c: {  	_ =	shalt  }
0x5d: {  	_ =	shalt  }
0x5e: {  	_ =	shalt  }
0x5f: {  	_ =	shalt  }
0x60: {  	_ =	shalt  }
0x61: {  	_ =	shalt  }
0x62: {  	_ =	shalt  }
0x63: {  	_ =	shalt  }
0x64: {  	_ =	shalt  }
0x65: {  	_ =	shalt  }
0x66: {  	_ =	shalt  }
0x67: {  	_ =	shalt  }
0x68: {  	_ =	shalt  }
0x69: {  	_ =	shalt  }
0x6a: {  	_ =	shalt  }
0x6b: {  	_ =	shalt  }
0x6c: {  	_ =	shalt  }
0x6d: {  	_ =	shalt  }
0x6e: {  	_ =	shalt  }
0x6f: {  	_ =	shalt  }
0x70: {  	_ =	shalt  }
0x71: {  	_ =	shalt  }
0x72: {  	_ =	shalt  }
0x73: {  	_ =	shalt  }
0x74: {  	_ =	shalt  }
0x75: {  	_ =	shalt  }
0x76: {  	_ =	shalt  }
0x77: {  	_ =	shalt  }
0x78: {  	_ =	shalt  }
0x79: {  	_ =	shalt  }
0x7a: {  	_ =	shalt  }
0x7b: {  	_ =	shalt  }
0x7c: {  	_ =	shalt  }
0x7d: {  	_ =	shalt  }
0x7e: {  	_ =	shalt  }
0x7f: {  	_ =	shalt  }
0x80: {  	_ =	shalt  }
0x81: {  	_ =	shalt  }
0x82: {  	_ =	shalt  }
0x83: {  	_ =	shalt  }
0x84: {  	_ =	shalt  }
0x85: {  	_ =	shalt  }
0x86: {  	_ =	shalt  }
0x87: {  	_ =	shalt  }
.Lfunc_end0:
.L_simem_size_0:
called_computation_lowered:
.L_overlay_start_0:
0x88: {  	s2 =	sld [smem:$0x3FD9]  }
0x89: {  	s3 =	sld [smem:$0x3FFE];
	_ =	sdelay $0x1  }
0x8a: {  	s1 =	srdreg.scid  }
0x8b: {  	s0 =	sand.u32 $0x1, s1  }
0x8c: {  	s16 =	sshll.u32 s0, $0xA;
	s2 =	sadd.s32 s3, s2  }
0x8d: {  	s2 =	sadd.s32 s2, s16  }
0x8e: {  	[smem:$0x3FBF] =	sst s2  }
0x8f: {  	_ = 	snop  }
0x90: {  	(tm) =	ssettm $0x1  }
0x91: {  	s17 =	sld [smem:$0x3FFB];
	_ =	sdelay $0x3  }
0x92: {  	_ =	strace s17  }
0x93: {  	s2 =	sld [smem:$0x3FFC];
	_ =	sdelay $0x3  }
0x94: {  	_ =	strace s2  }
0x95: {  	s2 =	sld [smem:$0x3FFD];
	_ =	sdelay $0x3  }
0x96: {  	_ =	strace s2  }
0x97: {  	_ =	strace $0x8FFFFFFF  }
0x98: {  	s18 =	sld [smem:$0x3FDB];
	_ =	sdelay $0x1  }
0x99: {  	s19 =	simm.s32 $_scs_section_size  }
0x9a: {  	s4 =	simm.s32 $_size__tile_overlayer_lowered;
	s5 =	simm.s32 $_tile_overlayer_lowered  }
0x9b: {  	s22 =	simm.s32 $0x1BFF;
	s21 =	sshll.u32 s5, $0x1;
	s2 =	sadd.s32 s19, s18  }
0x9c: {  	s6 =	simm.s32 $0x0;
	s20 =	sshll.u32 s4, $0x1;
	s4 =	sadd.s32 s21, s2  }
0x9d: {  	[timem:s6], [sflag:s22] =	dma.local [hbm:s4], s20  }
0x9e: {  	_ =	swait.ge [sflag:s22], s20  }
0x9f: {  	s3 =	ssub.s32 $0x0, s20;
	[sflag:s22] =	ssyncset.done $0x0  }
0xa0: {  	[sflag:s22] =	ssyncadd.s32 s3;
	_ =	sdelay $0x1  }
0xa1: {  	s23 =	simm.s32 $0x1B8B  }
0xa2: {  	_ =	swait.ge [sflag:s23], $0x1  }
0xa3: {  	[sflag:s23] =	ssyncset.done $0x0  }
0xa4: {  	s25 =	simm.s32 $0x1B8E;
	s24 =	sld [smem:$0x3FFE];
	[sflag:s23] =	ssyncadd.s32 $0xFFFFFFFF  }
0xa5: {  	s26 =	simm.s32 $execute0_lowered;
	[smem:$0x3FD2] =	sst s25  }
0xa6: {  	s4 =	sshll.u32 s26, $0x1;
	_ =	strace $0x80000046;
	[dreg:$0x1] =	wrdreg $0xFFFFFFFF  }
0xa7: {  	s28 =	simm.s32 $_size_execute0_lowered;
	s2 =	sadd.s32 s2, s4;
	[dreg:$0x0] =	wrdreg $0x0  }
0xa8: {  	s4 =	sshll.u32 s28, $0x1;
	[dreg:$0x2] =	wrdreg s2  }
0xa9: {  	[dreg:$0x3] =	wrdreg s4  }
0xaa: {  	[dreg:$0x4] =	wrdreg $0xC0  }
0xab: {  	_ =	task [dreg:s6], $0x5FFFF  }
0xac: {  	[dreg:$0x1] =	wrdreg $0xFFFFFFFF  }
0xad: {  	[dreg:$0x0] =	wrdreg $0x60  }
0xae: {  	[dreg:$0x2] =	wrdreg s24  }
0xaf: {  	[dreg:$0x3] =	wrdreg $0x9  }
0xb0: {  	_ =	task.clear_ibuf [dreg:s6], $0x4FFFF;
	_ =	strace $0x90000046  }
0xb1: {  	s29 =	simm.s32 $0x9;
	_ =	strace $0x80000048  }
0xb2: {  	_ =	swait.ge [sflag:s29], $0x1  }
0xb3: {  	[sflag:s29] =	ssyncadd.s32 $0xFFFFFFFF  }
0xb4: {  	_ =	strace $0x90000048  }
0xb5: {  	_ =	sfence  }
0xb6: {  	s30 =	sld [smem:$0x0];
	_ =	sdelay $0x2  }
0xb7: {  	s31 =	sshll.u32 s1, $0xD;
	s1 =	sshrl.u32 s1, $0x2  }
0xb8: {  	s3 =	sand.u32 $0x4000, s31;
	s1 =	sadd.s32 s1, s30  }
0xb9: {  	s0 =	sor.u32 s3, s0;
	s1 =	sshll.u32 s1, $0x11  }
0xba: {  	s0 =	sor.u32 s1, s0  }
0xbb: {  	s0 =	sadd.s32 $0x8F2B, s0  }
0xbc: {  	[sflag:s0] =	ssyncadd.remote.s32 $0x1  }
0xbd: {  	_ =	sfence.sel $0xFFFF  }
0xbe: {  	[dreg:$0x0] =	wrdreg $0xFFFFFFFF;
	(pc) =	sbr.abs _section_cstart, $3  }
0xbf: {  	[dreg:$0x1] =	wrdreg $0xFFFFFFFF  }
0xc0: {  	_ =	task.clear_ibuf [dreg:s6], $0x2FFFF;
	_ =	strace $0x9FFFFFFF  }
0xc1: {  	(tm) =	ssettm $0x7FFFFFFF  }
tec
execute0_lowered:
.L_overlay_start_1:
0x0: {  	(tag) =	ssettag $0x1  }
0x1: {  	s6 =	rddreg [dreg:$0x0]  }
0x2: {  	s0 =	rddreg [dreg:$0x1]  }
0x3: {  	s3 =	srdreg.scid;
	s2 =	simm.s32 $0x0;
	s1 =	stileid.u32  }
0x4: {  	s9 =	simm.s32 $0x2AA00;
	s10 =	simm.s32 $0x1;
	s11 =	simm.s32 $0xFA00  }
0x5: {  	s12 =	simm.s32 $0x1C200;
	s13 =	simm.s32 $0x2;
	s14 =	simm.s32 $0x1CA00  }
0x6: {  	s15 =	simm.s32 $0x3;
	s16 =	simm.s32 $0x4;
	s17 =	simm.s32 $0x0  }
0x7: {  	s4 =	sand.u32 $0x1, s3;
	[smem:$0x7FF] =	sst s2;
	s5 =	sshll.u32 s1, $0xC  }
0x8: {  	s31 =	smul.u32 $0x640, s1;
	s3 =	sshll.u32 s4, $0x10;
	_ =	strace $0x80000047  }
0x9: {  	s7 =	ssub.s32 $0x2, s4;
	p0 =	seq.s32 s4, $0x1;
	s5 =	sor.u32 s5, s3  }
0xa: {  	s3 =	sadd.s32 $0x1400, s6;
	s8 =	sshrl.u32 s7, $0x1;
	s9 =	simm.s32 @!p0 $0x30E00  }
0xb: {  	s5 =	sadd.s32 s5, s6;
	s7 =	ssub.s32 s7, s8;
	s6 =	sadd.s32 s9, s6  }
0xc: {  	s8 =	simm.s32 $0x320;
	s9 =	simm.s32 $0x3200;
	s4 =	sadd.s32 $0x37200, s5  }
0xd: {  	s5 =	smax.u32 s7, $0x1;
	s6 =	sadd.s32 s6, s31;
	s7 =	simm.s32 $0x5  }
.LBB2_1:
0xe: {  	[tilespmem:s2], [sflag:$0x5] =	stream.linear.gather [hbm4b:s6+s2], $0x3200, $0x38;
	[tilespmem:$0x1D200] =	vst v63  }
0xf: {  	_ =	swait.ge [sflag:s7], $0x3200  }
0x10: {  	[sflag:s7] =	ssyncset.done $0x0  }
0x11: {  	s18 =	simm.s32 $0x0;
	[sflag:s7] =	ssyncadd.s32 $0xFFFFCE00  }
0x12: {  	[tilespmem:s9], [sflag:$0x1] =	stream.indirect.gather [hbm4b:s3+s8], $0x40, s2, s8, $0xb8;
	[tilespmem:$0x1D200] =	vst v63  }
.LBB2_2:
0x13: {  	s19 =	sshllo.u32 s18, $0x1  }
0x14: {  	_ =	swait.ge [sflag:s10], $0xC800;
	s20 =	smul.u32 $0xC80, s19  }
0x15: {  	[sflag:s10] =	ssyncset.done $0x0  }
0x16: {  	p0 =	seq.s32 s18, $0x0;
	[sflag:s10] =	ssyncadd.s32 $0xFFFF3800;
	s20 =	sshra.s32 s20, $0x2  }
0x17: {  	[tilespmem:s11], [sflag:$0x2] =	stream.indirect.gather [hbm4b:s3+s8], $0x40, s20, s8, $0xb8;
	[tilespmem:$0x1D200] =	vst v63  }
0x18: {  	s20 =	simm.s32 @!p0 $0x3  }
0x19: {  	_ =	swait.ge @!p0 [sflag:s20], $0x800  }
0x1a: {  	[sflag:s20] =	ssyncset.done @!p0 $0x0  }
0x1b: {  	s21 =	simm.s32 $0x32A0;
	[sflag:s20] =	ssyncadd.s32 @!p0 $0xFFFFF800;
	s20 =	simm.s32 $0x0  }
.LBB2_3:
0x1c: {  	v0 =	vmov s21;
	_ =	sdelay $0x3  }
0x1d: {  	s22 =	simm.s32 $0x0  }
0x1e: {  	v1 =	vld.idx.msk [tilespmem:v0+s22+$0x60 ss:$0x1], $0xffff  }
0x1f: {  	v2 =	vld.idx.msk [tilespmem:v0+s22+$0x70 ss:$0x1], $0xffff  }
0x20: {  	v3 =	vld.idx.msk [tilespmem:v0+s22+$0x80 ss:$0x1], $0xffff  }
0x21: {  	v4 =	vld.idx.msk [tilespmem:v0+s22+$0x20 ss:$0x1], $0xffff  }
0x22: {  	v10 =	vld.idx.msk [tilespmem:v0+s22+$0x30 ss:$0x1], $0xffff  }
0x23: {  	v11 =	vld.idx.msk [tilespmem:v0+s22+$0x40 ss:$0x1], $0xffff  }
0x24: {  	v12 =	vld.idx.msk [tilespmem:v0+s22+$0xFFFFFFE0 ss:$0x1], $0xffff  }
0x25: {  	v17 =	vld.idx.msk [tilespmem:v0+s22+$0xFFFFFFF0 ss:$0x1], $0xffff  }
0x26: {  	v5 =	vimm.f32 $0.0e+00;
	v19 =	vld.idx.msk [tilespmem:v0+s22+$0xFFFFFFA0 ss:$0x1], $0xffff  }
0x27: {  	v24 =	vld.idx.msk [tilespmem:v0+s22+$0xFFFFFF60 ss:$0x1], $0xffff;
	v8 =	vshll.u32 v1, $0x10;
	v9 =	vand.u32 $0xFFFF0000, v1;
	v6 =	vshll.u32 v2, $0x10  }
0x28: {  	v25 =	vld.idx.msk [tilespmem:v0+s22+$0xFFFFFF70 ss:$0x1], $0xffff;
	v7 =	vand.u32 $0xFFFF0000, v2;
	v2 =	vshll.u32 v3, $0x10;
	v1 =	vand.u32 $0xFFFF0000, v3  }
0x29: {  	v15 =	vshll.u32 v4, $0x10;
	v16 =	vand.u32 $0xFFFF0000, v4;
	v13 =	vshll.u32 v10, $0x10  }
0x2a: {  	v28 =	vld.idx.msk [tilespmem:v0+s22+$0xFFFFFFB0 ss:$0x1], $0xffff;
	v14 =	vand.u32 $0xFFFF0000, v10;
	v4 =	vshll.u32 v11, $0x10;
	v3 =	vand.u32 $0xFFFF0000, v11  }
0x2b: {  	v20 =	vshll.u32 v12, $0x10;
	v21 =	vand.u32 $0xFFFF0000, v12;
	v18 =	vshll.u32 v17, $0x10  }
0x2c: {  	v22 =	vld.idx.msk [tilespmem:v0+s22+$0x0 ss:$0x1], $0xffff;
	v10 =	vshll.u32 v19, $0x10;
	v11 =	vand.u32 $0xFFFF0000, v19;
	v23 =	vand.u32 $0xFFFF0000, v17  }
0x2d: {  	v12 =	vshll.u32 v24, $0x10;
	v17 =	vand.u32 $0xFFFF0000, v24;
	v19 =	vshll.u32 v25, $0x10  }
0x2e: {  	v24 =	vand.u32 $0xFFFF0000, v25;
	v12 =	vadd.f32 v12, v5;
	v17 =	vadd.f32 v17, v5  }
0x2f: {  	v30 =	vshll.u32 v28, $0x10;
	v25 =	vld.idx.msk [tilespmem:v0+s22+$0xFFFFFFC0 ss:$0x1], $0xffff;
	v19 =	vadd.f32 v19, v5;
	v29 =	vadd.f32 v24, v5  }
0x30: {  	v26 =	vadd.f32 v10, v12;
	v27 =	vadd.f32 v11, v17;
	v10 =	vand.u32 $0xFFFF0000, v28  }
0x31: {  	v24 =	vld.idx.msk [tilespmem:v0+s22+$0xFFFFFF80 ss:$0x1], $0xffff;
	v28 =	vadd.f32 v30, v19;
	v17 =	vshll.u32 v22, $0x10;
	v12 =	vimm.f32 $0.0e+00  }
0x32: {  	s23 =	simm.s32 $0x500;
	v19 =	vld.idx.msk [tilespmem:v0+s22+$0xFFFFFF90 ss:$0x1], $0xffff;
	v11 =	vimm.f32 $0.0e+00;
	v29 =	vadd.f32 v10, v29;
	v10 =	vimm.f32 $0.0e+00  }
.LBB2_4:
0x33: {  	p0 =	sne.s32 s23, $0x2D00;
	v20 =	vadd.f32 v20, v26;
	v21 =	vadd.f32 v21, v27;
	v22 =	vand.u32 $0xFFFF0000, v22  }
0x34: {  	v26 =	vshll.u32 v25, $0x10;
	v27 =	vld.idx.msk [tilespmem:v0+s22+$0xFFFFFFD0 ss:$0x1], $0xffff;
	v18 =	vadd.f32 v18, v28;
	v23 =	vadd.f32 v23, v29  }
0x35: {  	v25 =	vand.u32 $0xFFFF0000, v25;
	v15 =	vadd.f32 v15, v20;
	v16 =	vadd.f32 v16, v21  }
0x36: {  	s24 =	sshra.s32 s23, $0x2;
	v20 =	vshll.u32 v24, $0x10;
	v21 =	vld.idx.msk [tilespmem:v0+s22+$0x10 ss:$0x1], $0xffff;
	v13 =	vadd.f32 v13, v18;
	v14 =	vadd.f32 v14, v23  }
0x37: {  	v23 =	vand.u32 $0xFFFF0000, v24;
	v18 =	vld.idx.msk [tilespmem:v0+s24+$0x60 ss:$0x1], $0xffff;
	v24 =	vadd.f32 v8, v15;
	v28 =	vadd.f32 v9, v16  }
0x38: {  	v8 =	vshll.u32 v19, $0x10;
	v9 =	vld.idx.msk [tilespmem:v0+s22+$0x50 ss:$0x1], $0xffff;
	v29 =	vadd.f32 v6, v13;
	v30 =	vadd.f32 v7, v14  }
0x39: {  	v5 =	vadd.f32 v20, v5;
	v6 =	vadd.f32 v23, v12;
	v12 =	vand.u32 $0xFFFF0000, v19;
	v7 =	vld.idx.msk [tilespmem:v0+s24+$0x70 ss:$0x1], $0xffff  }
0x3a: {  	v8 =	vadd.f32 v8, v11;
	v10 =	vadd.f32 v12, v10;
	v11 =	vshll.u32 v27, $0x10;
	v13 =	vld.idx.msk [tilespmem:v0+s22+$0x90 ss:$0x1], $0xffff;
	s22 =	smov.u32 s24  }
0x3b: {  	v5 =	vadd.f32 v26, v5;
	v12 =	vand.u32 $0xFFFF0000, v27;
	v6 =	vadd.f32 v25, v6;
	v14 =	vld.idx.msk [tilespmem:v0+s22+$0x80 ss:$0x1], $0xffff  }
0x3c: {  	v8 =	vadd.f32 v11, v8;
	v10 =	vadd.f32 v12, v10;
	v11 =	vshll.u32 v21, $0x10;
	v16 =	vld.idx.msk [tilespmem:v0+s22+$0x20 ss:$0x1], $0xffff  }
0x3d: {  	v5 =	vadd.f32 v17, v5;
	v12 =	vand.u32 $0xFFFF0000, v21;
	v6 =	vadd.f32 v22, v6;
	v19 =	vld.idx.msk [tilespmem:v0+s22+$0x30 ss:$0x1], $0xffff  }
0x3e: {  	v8 =	vadd.f32 v11, v8;
	v10 =	vadd.f32 v12, v10;
	v11 =	vshll.u32 v9, $0x10;
	v17 =	vld.idx.msk [tilespmem:v0+s22+$0x40 ss:$0x1], $0xffff  }
0x3f: {  	v4 =	vadd.f32 v4, v5;
	v5 =	vand.u32 $0xFFFF0000, v9;
	v3 =	vadd.f32 v3, v6;
	v21 =	vld.idx.msk [tilespmem:v0+s22+$0xFFFFFFE0 ss:$0x1], $0xffff  }
0x40: {  	v6 =	vadd.f32 v11, v8;
	v8 =	vadd.f32 v5, v10;
	v9 =	vshll.u32 v13, $0x10;
	v23 =	vld.idx.msk [tilespmem:v0+s22+$0xFFFFFFF0 ss:$0x1], $0xffff  }
0x41: {  	v5 =	vadd.f32 v2, v4;
	v12 =	vadd.f32 v1, v3;
	v1 =	vand.u32 $0xFFFF0000, v13;
	v25 =	vld.idx.msk [tilespmem:v0+s22+$0xFFFFFFA0 ss:$0x1], $0xffff  }
0x42: {  	v11 =	vadd.f32 v9, v6;
	v10 =	vadd.f32 v1, v8;
	v26 =	vld.idx.msk [tilespmem:v0+s22+$0xFFFFFF60 ss:$0x1], $0xffff  }
0x43: {  	v9 =	vand.u32 $0xFFFF0000, v18;
	v6 =	vshll.u32 v7, $0x10;
	v8 =	vshll.u32 v18, $0x10;
	v27 =	vld.idx.msk [tilespmem:v0+s22+$0xFFFFFF70 ss:$0x1], $0xffff  }
0x44: {  	v7 =	vand.u32 $0xFFFF0000, v7;
	v2 =	vshll.u32 v14, $0x10;
	v1 =	vand.u32 $0xFFFF0000, v14  }
0x45: {  	v15 =	vshll.u32 v16, $0x10;
	v16 =	vand.u32 $0xFFFF0000, v16;
	v13 =	vshll.u32 v19, $0x10;
	v31 =	vld.idx.msk [tilespmem:v0+s22+$0xFFFFFFB0 ss:$0x1], $0xffff  }
0x46: {  	v14 =	vand.u32 $0xFFFF0000, v19;
	v4 =	vshll.u32 v17, $0x10;
	v3 =	vand.u32 $0xFFFF0000, v17  }
0x47: {  	v20 =	vshll.u32 v21, $0x10;
	v21 =	vand.u32 $0xFFFF0000, v21;
	v18 =	vshll.u32 v23, $0x10;
	v22 =	vld.idx.msk [tilespmem:v0+s22+$0x0 ss:$0x1], $0xffff  }
0x48: {  	v23 =	vand.u32 $0xFFFF0000, v23;
	v17 =	vshll.u32 v25, $0x10;
	v19 =	vand.u32 $0xFFFF0000, v25  }
.Ltmp0:
0x49: {  	v32 =	vshll.u32 v26, $0x10;
	v26 =	vand.u32 $0xFFFF0000, v26;
	v33 =	vshll.u32 v27, $0x10;
	v25 =	vld.idx.msk [tilespmem:v0+s22+$0xFFFFFFC0 ss:$0x1], $0xffff;
	(pc) =	sbr.rel @p0 .LBB2_4-.Ltmp0, $4  }
0x4a: {  	v32 =	vadd.f32 v32, v24;
	v28 =	vadd.f32 v26, v28;
	v24 =	vand.u32 $0xFFFF0000, v27  }
0x4b: {  	v29 =	vadd.f32 v33, v29;
	v30 =	vadd.f32 v24, v30;
	v33 =	vshll.u32 v31, $0x10;
	v24 =	vld.idx.msk [tilespmem:v0+s22+$0xFFFFFF80 ss:$0x1], $0xffff  }
0x4c: {  	v26 =	vadd.f32 v17, v32;
	v27 =	vadd.f32 v19, v28;
	v17 =	vand.u32 $0xFFFF0000, v31  }
0x4d: {  	s23 =	sadd.s32 $0x500, s23;
	v28 =	vadd.f32 v33, v29;
	v29 =	vadd.f32 v17, v30;
	v17 =	vshll.u32 v22, $0x10;
	v19 =	vld.idx.msk [tilespmem:v0+s22+$0xFFFFFF90 ss:$0x1], $0xffff  }
0x4e: {  	_ = 	snop  }
0x4f: {  	v20 =	vadd.f32 v20, v26;
	v21 =	vadd.f32 v21, v27  }
0x50: {  	v22 =	vand.u32 $0xFFFF0000, v22;
	v18 =	vadd.f32 v18, v28;
	v23 =	vadd.f32 v23, v29  }
0x51: {  	v15 =	vadd.f32 v15, v20;
	v16 =	vadd.f32 v16, v21;
	v48 =	vshll.u32 v24, $0x10  }
0x52: {  	v46 =	vld.idx.msk [tilespmem:v0+s22+$0xFFFFFFD0 ss:$0x1], $0xffff;
	v50 =	vand.u32 $0xFFFF0000, v24;
	v13 =	vadd.f32 v13, v18;
	v14 =	vadd.f32 v14, v23  }
0x53: {  	v45 =	vshll.u32 v25, $0x10;
	v5 =	vadd.f32 v48, v5;
	v12 =	vadd.f32 v50, v12  }
0x54: {  	v47 =	vand.u32 $0xFFFF0000, v25;
	v49 =	vld.idx.msk [tilespmem:v0+s22+$0x10 ss:$0x1], $0xffff;
	v8 =	vadd.f32 v8, v15;
	v9 =	vadd.f32 v9, v16  }
0x55: {  	v51 =	vshll.u32 v19, $0x10;
	v6 =	vadd.f32 v6, v13;
	v7 =	vadd.f32 v7, v14  }
0x56: {  	v52 =	vld.idx.msk [tilespmem:v0+s22+$0x50 ss:$0x1], $0xffff;
	v53 =	vand.u32 $0xFFFF0000, v19;
	v11 =	vadd.f32 v51, v11;
	v5 =	vadd.f32 v45, v5  }
0x57: {  	v10 =	vadd.f32 v53, v10;
	v54 =	vshll.u32 v46, $0x10;
	v12 =	vadd.f32 v47, v12  }
0x58: {  	v55 =	vld.idx.msk [tilespmem:v0+s22+$0x90 ss:$0x1], $0xffff;
	s31 =	sshll.u32 s20, $0x7;
	v56 =	vand.u32 $0xFFFF0000, v46;
	v11 =	vadd.f32 v54, v11;
	v5 =	vadd.f32 v17, v5  }
0x59: {  	s22 =	sand.u32 $0x3FFFFF80, s31;
	v57 =	vshll.u32 v49, $0x10;
	v10 =	vadd.f32 v56, v10;
	v12 =	vadd.f32 v22, v12  }
0x5a: {  	v15 =	vand.u32 $0xFFFF0000, v49;
	[tilespmem:s22+$0x1C200] =	vst v8;
	v11 =	vadd.f32 v57, v11;
	v4 =	vadd.f32 v4, v5  }
0x5b: {  	s20 =	sadd.s32 $0x1, s20;
	v59 =	vshll.u32 v52, $0x10;
	[tilespmem:s22+$0x1C210] =	vst v9;
	v58 =	vadd.f32 v15, v10;
	v3 =	vadd.f32 v3, v12  }
0x5c: {  	p0 =	sne.s32 s20, $0x10;
	v60 =	vand.u32 $0xFFFF0000, v52;
	[tilespmem:s22+$0x1C220] =	vst v6;
	v8 =	vadd.f32 v59, v11;
	v2 =	vadd.f32 v2, v4  }
.Ltmp1:
0x5d: {  	v62 =	vshll.u32 v55, $0x10;
	[tilespmem:s22+$0x1C230] =	vst v7;
	v61 =	vadd.f32 v60, v58;
	v1 =	vadd.f32 v1, v3;
	(pc) =	sbr.rel @p0 .LBB2_3-.Ltmp1, $4  }
0x5e: {  	v0 =	vand.u32 $0xFFFF0000, v55;
	v63 =	vadd.f32 v62, v8;
	[tilespmem:s22+$0x1C240] =	vst v2  }
0x5f: {  	v0 =	vadd.f32 v0, v61;
	[tilespmem:s22+$0x1C250] =	vst v1  }
0x60: {  	[tilespmem:s22+$0x1C260] =	vst v63  }
0x61: {  	s21 =	sadd.s32 $0xC80, s21;
	[tilespmem:s22+$0x1C270] =	vst v0  }
0x62: {  	s20 =	sshll.u32 s18, $0x9  }
0x63: {  	p0 =	seq.s32 s18, $0x7;
	s20 =	sadd.s32 s20, s4  }
0x64: {  	[hbm4b:s20+s2] =	stream.linear.scatter [tilespmem:s12], [sflag:$0x3], $0x800, $0x38;
	[tilespmem:$0x1D200] =	vst v63  }
0x65: {  	s20 =	smul.u32 @!p0 $0x1900, s18  }
0x66: {  	p1 =	seq.s32 @!p0 s18, $0x0;
	_ =	swait.ge [sflag:s13], $0xC800  }
0x67: {  	s21 =	simm.s32 @!p0 $0x320;
	[sflag:s13] =	ssyncset.done $0x0;
	s20 =	sshra.s32 @!p0 s20, $0x2  }
0x68: {  	s22 =	simm.s32 @!p0 $0x3200;
	[sflag:s13] =	ssyncadd.s32 $0xFFFF3800;
	s20 =	sadd.s32 @!p0 $0x640, s20  }
0x69: {  	[tilespmem:s22], [sflag:$0x1] =	stream.indirect.gather @!p0 [hbm4b:s3+s21], $0x40, s20, s21, $0xb8;
	[tilespmem:$0x1D200] =	vst v63  }
0x6a: {  	p0 =	por p0, !p1  }
0x6b: {  	_ =	swait.ge @p0 [sflag:s16], $0x800  }
0x6c: {  	[sflag:s16] =	ssyncset.done @p0 $0x0  }
0x6d: {  	s20 =	simm.s32 $0x0;
	s21 =	simm.s32 $0xFAA0;
	[sflag:s16] =	ssyncadd.s32 @p0 $0xFFFFF800  }
.LBB2_7:
0x6e: {  	v0 =	vmov s21;
	_ =	sdelay $0x3  }
0x6f: {  	s22 =	simm.s32 $0x0  }
0x70: {  	v1 =	vld.idx.msk [tilespmem:v0+s22+$0x60 ss:$0x1], $0xffff  }
0x71: {  	v2 =	vld.idx.msk [tilespmem:v0+s22+$0x70 ss:$0x1], $0xffff  }
0x72: {  	v3 =	vld.idx.msk [tilespmem:v0+s22+$0x80 ss:$0x1], $0xffff  }
0x73: {  	v4 =	vld.idx.msk [tilespmem:v0+s22+$0x20 ss:$0x1], $0xffff  }
0x74: {  	v10 =	vld.idx.msk [tilespmem:v0+s22+$0x30 ss:$0x1], $0xffff  }
0x75: {  	v11 =	vld.idx.msk [tilespmem:v0+s22+$0x40 ss:$0x1], $0xffff  }
0x76: {  	v12 =	vld.idx.msk [tilespmem:v0+s22+$0xFFFFFFE0 ss:$0x1], $0xffff  }
0x77: {  	v17 =	vld.idx.msk [tilespmem:v0+s22+$0xFFFFFFF0 ss:$0x1], $0xffff  }
0x78: {  	v5 =	vimm.f32 $0.0e+00;
	v19 =	vld.idx.msk [tilespmem:v0+s22+$0xFFFFFFA0 ss:$0x1], $0xffff  }
0x79: {  	v24 =	vld.idx.msk [tilespmem:v0+s22+$0xFFFFFF60 ss:$0x1], $0xffff;
	v8 =	vshll.u32 v1, $0x10;
	v9 =	vand.u32 $0xFFFF0000, v1;
	v6 =	vshll.u32 v2, $0x10  }
0x7a: {  	v25 =	vld.idx.msk [tilespmem:v0+s22+$0xFFFFFF70 ss:$0x1], $0xffff;
	v7 =	vand.u32 $0xFFFF0000, v2;
	v2 =	vshll.u32 v3, $0x10;
	v1 =	vand.u32 $0xFFFF0000, v3  }
0x7b: {  	v15 =	vshll.u32 v4, $0x10;
	v16 =	vand.u32 $0xFFFF0000, v4;
	v13 =	vshll.u32 v10, $0x10  }
0x7c: {  	v28 =	vld.idx.msk [tilespmem:v0+s22+$0xFFFFFFB0 ss:$0x1], $0xffff;
	v14 =	vand.u32 $0xFFFF0000, v10;
	v4 =	vshll.u32 v11, $0x10;
	v3 =	vand.u32 $0xFFFF0000, v11  }
0x7d: {  	v20 =	vshll.u32 v12, $0x10;
	v21 =	vand.u32 $0xFFFF0000, v12;
	v18 =	vshll.u32 v17, $0x10  }
0x7e: {  	v22 =	vld.idx.msk [tilespmem:v0+s22+$0x0 ss:$0x1], $0xffff;
	v10 =	vshll.u32 v19, $0x10;
	v11 =	vand.u32 $0xFFFF0000, v19;
	v23 =	vand.u32 $0xFFFF0000, v17  }
0x7f: {  	v12 =	vshll.u32 v24, $0x10;
	v17 =	vand.u32 $0xFFFF0000, v24;
	v19 =	vshll.u32 v25, $0x10  }
0x80: {  	v24 =	vand.u32 $0xFFFF0000, v25;
	v12 =	vadd.f32 v12, v5;
	v17 =	vadd.f32 v17, v5  }
0x81: {  	v30 =	vshll.u32 v28, $0x10;
	v25 =	vld.idx.msk [tilespmem:v0+s22+$0xFFFFFFC0 ss:$0x1], $0xffff;
	v19 =	vadd.f32 v19, v5;
	v29 =	vadd.f32 v24, v5  }
0x82: {  	v26 =	vadd.f32 v10, v12;
	v27 =	vadd.f32 v11, v17;
	v10 =	vand.u32 $0xFFFF0000, v28  }
0x83: {  	v24 =	vld.idx.msk [tilespmem:v0+s22+$0xFFFFFF80 ss:$0x1], $0xffff;
	v28 =	vadd.f32 v30, v19;
	v17 =	vshll.u32 v22, $0x10;
	v12 =	vimm.f32 $0.0e+00  }
0x84: {  	s23 =	simm.s32 $0x500;
	v19 =	vld.idx.msk [tilespmem:v0+s22+$0xFFFFFF90 ss:$0x1], $0xffff;
	v11 =	vimm.f32 $0.0e+00;
	v29 =	vadd.f32 v10, v29;
	v10 =	vimm.f32 $0.0e+00  }
.LBB2_8:
0x85: {  	p0 =	sne.s32 s23, $0x2D00;
	v20 =	vadd.f32 v20, v26;
	v21 =	vadd.f32 v21, v27;
	v22 =	vand.u32 $0xFFFF0000, v22  }
0x86: {  	v26 =	vshll.u32 v25, $0x10;
	v27 =	vld.idx.msk [tilespmem:v0+s22+$0xFFFFFFD0 ss:$0x1], $0xffff;
	v18 =	vadd.f32 v18, v28;
	v23 =	vadd.f32 v23, v29  }
0x87: {  	v25 =	vand.u32 $0xFFFF0000, v25;
	v15 =	vadd.f32 v15, v20;
	v16 =	vadd.f32 v16, v21  }
0x88: {  	s24 =	sshra.s32 s23, $0x2;
	v20 =	vshll.u32 v24, $0x10;
	v21 =	vld.idx.msk [tilespmem:v0+s22+$0x10 ss:$0x1], $0xffff;
	v13 =	vadd.f32 v13, v18;
	v14 =	vadd.f32 v14, v23  }
0x89: {  	v23 =	vand.u32 $0xFFFF0000, v24;
	v18 =	vld.idx.msk [tilespmem:v0+s24+$0x60 ss:$0x1], $0xffff;
	v24 =	vadd.f32 v8, v15;
	v28 =	vadd.f32 v9, v16  }
0x8a: {  	v8 =	vshll.u32 v19, $0x10;
	v9 =	vld.idx.msk [tilespmem:v0+s22+$0x50 ss:$0x1], $0xffff;
	v29 =	vadd.f32 v6, v13;
	v30 =	vadd.f32 v7, v14  }
0x8b: {  	v5 =	vadd.f32 v20, v5;
	v6 =	vadd.f32 v23, v12;
	v12 =	vand.u32 $0xFFFF0000, v19;
	v7 =	vld.idx.msk [tilespmem:v0+s24+$0x70 ss:$0x1], $0xffff  }
0x8c: {  	v8 =	vadd.f32 v8, v11;
	v10 =	vadd.f32 v12, v10;
	v11 =	vshll.u32 v27, $0x10;
	v13 =	vld.idx.msk [tilespmem:v0+s22+$0x90 ss:$0x1], $0xffff;
	s22 =	smov.u32 s24  }
0x8d: {  	v5 =	vadd.f32 v26, v5;
	v12 =	vand.u32 $0xFFFF0000, v27;
	v6 =	vadd.f32 v25, v6;
	v14 =	vld.idx.msk [tilespmem:v0+s22+$0x80 ss:$0x1], $0xffff  }
0x8e: {  	v8 =	vadd.f32 v11, v8;
	v10 =	vadd.f32 v12, v10;
	v11 =	vshll.u32 v21, $0x10;
	v16 =	vld.idx.msk [tilespmem:v0+s22+$0x20 ss:$0x1], $0xffff  }
0x8f: {  	v5 =	vadd.f32 v17, v5;
	v12 =	vand.u32 $0xFFFF0000, v21;
	v6 =	vadd.f32 v22, v6;
	v19 =	vld.idx.msk [tilespmem:v0+s22+$0x30 ss:$0x1], $0xffff  }
0x90: {  	v8 =	vadd.f32 v11, v8;
	v10 =	vadd.f32 v12, v10;
	v11 =	vshll.u32 v9, $0x10;
	v17 =	vld.idx.msk [tilespmem:v0+s22+$0x40 ss:$0x1], $0xffff  }
0x91: {  	v4 =	vadd.f32 v4, v5;
	v5 =	vand.u32 $0xFFFF0000, v9;
	v3 =	vadd.f32 v3, v6;
	v21 =	vld.idx.msk [tilespmem:v0+s22+$0xFFFFFFE0 ss:$0x1], $0xffff  }
0x92: {  	v6 =	vadd.f32 v11, v8;
	v8 =	vadd.f32 v5, v10;
	v9 =	vshll.u32 v13, $0x10;
	v23 =	vld.idx.msk [tilespmem:v0+s22+$0xFFFFFFF0 ss:$0x1], $0xffff  }
0x93: {  	v5 =	vadd.f32 v2, v4;
	v12 =	vadd.f32 v1, v3;
	v1 =	vand.u32 $0xFFFF0000, v13;
	v25 =	vld.idx.msk [tilespmem:v0+s22+$0xFFFFFFA0 ss:$0x1], $0xffff  }
0x94: {  	v11 =	vadd.f32 v9, v6;
	v10 =	vadd.f32 v1, v8;
	v26 =	vld.idx.msk [tilespmem:v0+s22+$0xFFFFFF60 ss:$0x1], $0xffff  }
0x95: {  	v9 =	vand.u32 $0xFFFF0000, v18;
	v6 =	vshll.u32 v7, $0x10;
	v8 =	vshll.u32 v18, $0x10;
	v27 =	vld.idx.msk [tilespmem:v0+s22+$0xFFFFFF70 ss:$0x1], $0xffff  }
0x96: {  	v7 =	vand.u32 $0xFFFF0000, v7;
	v2 =	vshll.u32 v14, $0x10;
	v1 =	vand.u32 $0xFFFF0000, v14  }
0x97: {  	v15 =	vshll.u32 v16, $0x10;
	v16 =	vand.u32 $0xFFFF0000, v16;
	v13 =	vshll.u32 v19, $0x10;
	v31 =	vld.idx.msk [tilespmem:v0+s22+$0xFFFFFFB0 ss:$0x1], $0xffff  }
0x98: {  	v14 =	vand.u32 $0xFFFF0000, v19;
	v4 =	vshll.u32 v17, $0x10;
	v3 =	vand.u32 $0xFFFF0000, v17  }
0x99: {  	v20 =	vshll.u32 v21, $0x10;
	v21 =	vand.u32 $0xFFFF0000, v21;
	v18 =	vshll.u32 v23, $0x10;
	v22 =	vld.idx.msk [tilespmem:v0+s22+$0x0 ss:$0x1], $0xffff  }
0x9a: {  	v23 =	vand.u32 $0xFFFF0000, v23;
	v17 =	vshll.u32 v25, $0x10;
	v19 =	vand.u32 $0xFFFF0000, v25  }
.Ltmp2:
0x9b: {  	v32 =	vshll.u32 v26, $0x10;
	v26 =	vand.u32 $0xFFFF0000, v26;
	v33 =	vshll.u32 v27, $0x10;
	v25 =	vld.idx.msk [tilespmem:v0+s22+$0xFFFFFFC0 ss:$0x1], $0xffff;
	(pc) =	sbr.rel @p0 .LBB2_8-.Ltmp2, $4  }
0x9c: {  	v32 =	vadd.f32 v32, v24;
	v28 =	vadd.f32 v26, v28;
	v24 =	vand.u32 $0xFFFF0000, v27  }
0x9d: {  	v29 =	vadd.f32 v33, v29;
	v30 =	vadd.f32 v24, v30;
	v33 =	vshll.u32 v31, $0x10;
	v24 =	vld.idx.msk [tilespmem:v0+s22+$0xFFFFFF80 ss:$0x1], $0xffff  }
0x9e: {  	v26 =	vadd.f32 v17, v32;
	v27 =	vadd.f32 v19, v28;
	v17 =	vand.u32 $0xFFFF0000, v31  }
0x9f: {  	s23 =	sadd.s32 $0x500, s23;
	v28 =	vadd.f32 v33, v29;
	v29 =	vadd.f32 v17, v30;
	v17 =	vshll.u32 v22, $0x10;
	v19 =	vld.idx.msk [tilespmem:v0+s22+$0xFFFFFF90 ss:$0x1], $0xffff  }
0xa0: {  	_ = 	snop  }
0xa1: {  	v20 =	vadd.f32 v20, v26;
	v21 =	vadd.f32 v21, v27  }
0xa2: {  	v22 =	vand.u32 $0xFFFF0000, v22;
	v18 =	vadd.f32 v18, v28;
	v23 =	vadd.f32 v23, v29  }
0xa3: {  	v15 =	vadd.f32 v15, v20;
	v16 =	vadd.f32 v16, v21;
	v48 =	vshll.u32 v24, $0x10  }
0xa4: {  	v46 =	vld.idx.msk [tilespmem:v0+s22+$0xFFFFFFD0 ss:$0x1], $0xffff;
	v50 =	vand.u32 $0xFFFF0000, v24;
	v13 =	vadd.f32 v13, v18;
	v14 =	vadd.f32 v14, v23  }
0xa5: {  	v45 =	vshll.u32 v25, $0x10;
	v5 =	vadd.f32 v48, v5;
	v12 =	vadd.f32 v50, v12  }
0xa6: {  	v47 =	vand.u32 $0xFFFF0000, v25;
	v49 =	vld.idx.msk [tilespmem:v0+s22+$0x10 ss:$0x1], $0xffff;
	v8 =	vadd.f32 v8, v15;
	v9 =	vadd.f32 v9, v16  }
0xa7: {  	v51 =	vshll.u32 v19, $0x10;
	v6 =	vadd.f32 v6, v13;
	v7 =	vadd.f32 v7, v14  }
0xa8: {  	v52 =	vld.idx.msk [tilespmem:v0+s22+$0x50 ss:$0x1], $0xffff;
	v53 =	vand.u32 $0xFFFF0000, v19;
	v11 =	vadd.f32 v51, v11;
	v5 =	vadd.f32 v45, v5  }
0xa9: {  	v10 =	vadd.f32 v53, v10;
	v54 =	vshll.u32 v46, $0x10;
	v12 =	vadd.f32 v47, v12  }
0xaa: {  	v55 =	vld.idx.msk [tilespmem:v0+s22+$0x90 ss:$0x1], $0xffff;
	s31 =	sshll.u32 s20, $0x7;
	v56 =	vand.u32 $0xFFFF0000, v46;
	v11 =	vadd.f32 v54, v11;
	v5 =	vadd.f32 v17, v5  }
0xab: {  	s22 =	sand.u32 $0x3FFFFF80, s31;
	v57 =	vshll.u32 v49, $0x10;
	v10 =	vadd.f32 v56, v10;
	v12 =	vadd.f32 v22, v12  }
0xac: {  	v15 =	vand.u32 $0xFFFF0000, v49;
	[tilespmem:s22+$0x1CA00] =	vst v8;
	v11 =	vadd.f32 v57, v11;
	v4 =	vadd.f32 v4, v5  }
0xad: {  	s20 =	sadd.s32 $0x1, s20;
	v59 =	vshll.u32 v52, $0x10;
	[tilespmem:s22+$0x1CA10] =	vst v9;
	v58 =	vadd.f32 v15, v10;
	v3 =	vadd.f32 v3, v12  }
0xae: {  	p0 =	sne.s32 s20, $0x10;
	v60 =	vand.u32 $0xFFFF0000, v52;
	[tilespmem:s22+$0x1CA20] =	vst v6;
	v8 =	vadd.f32 v59, v11;
	v2 =	vadd.f32 v2, v4  }
.Ltmp3:
0xaf: {  	v62 =	vshll.u32 v55, $0x10;
	[tilespmem:s22+$0x1CA30] =	vst v7;
	v61 =	vadd.f32 v60, v58;
	v1 =	vadd.f32 v1, v3;
	(pc) =	sbr.rel @p0 .LBB2_7-.Ltmp3, $4  }
0xb0: {  	v0 =	vand.u32 $0xFFFF0000, v55;
	v63 =	vadd.f32 v62, v8;
	[tilespmem:s22+$0x1CA40] =	vst v2  }
0xb1: {  	v0 =	vadd.f32 v0, v61;
	[tilespmem:s22+$0x1CA50] =	vst v1  }
0xb2: {  	[tilespmem:s22+$0x1CA60] =	vst v63  }
0xb3: {  	s21 =	sadd.s32 $0xC80, s21;
	[tilespmem:s22+$0x1CA70] =	vst v0  }
0xb4: {  	s18 =	sadd.s32 $0x1, s18  }
0xb5: {  	p0 =	sne.s32 s18, $0x8  }
.Ltmp4:
0xb6: {  	_ = 	snop;
	(pc) =	sbr.rel @p0 .LBB2_2-.Ltmp4, $4  }
0xb7: {  	_ = 	snop  }
0xb8: {  	s19 =	sshll.u32 s19, $0x8  }
0xb9: {  	s19 =	sadd.s32 s19, s4  }
0xba: {  	[hbm4b:s19+s2] =	stream.linear.scatter [tilespmem:s14], [sflag:$0x4], $0x800, $0x38;
	[tilespmem:$0x1D200] =	vst v63  }
0xbb: {  	s17 =	sadd.s32 $0x1, s17  }
0xbc: {  	_ =	swait.ge [sflag:s15], $0x800;
	p0 =	sne.s32 s17, s5  }
.Ltmp5:
0xbd: {  	[sflag:s15] =	ssyncset.done $0x0;
	(pc) =	sbr.rel @p0 .LBB2_1-.Ltmp5, $4  }
0xbe: {  	[sflag:s15] =	ssyncadd.s32 $0xFFFFF800  }
0xbf: {  	_ =	swait.ge [sflag:s16], $0x800  }
0xc0: {  	[sflag:s16] =	ssyncset.done $0x0  }
0xc1: {  	[sflag:s16] =	ssyncadd.s32 $0xFFFFF800  }
0xc2: {  	_ =	sfence.sel $0x180000  }
0xc3: {  	[bflag:$0x0] =	sbarrier.arrive $0xFFFF  }
0xc4: {  	p0 =	sne.s32 s1, $0x0;
	_ =	strace $0x90000047  }
0xc5: {  	s0 =	sadd.s32 @!p0 $0x100000, s0;
	[bflag:$0x2] =	sbarrier.arrive $0xFFFF  }
0xc6: {  	[sflag:s0] =	ssyncadd.tile.s32 @!p0 $0x1;
	_ =	shalt  }
.Lfunc_end2:
_tile_overlayer_lowered:
.L_overlay_start_2:
0xc7: {  	(tag) =	ssettag $0x2  }
0xc8: {  	s0 =	rddreg [dreg:$0x0];
	s2 =	stileid.u32  }
0xc9: {  	s1 =	rddreg [dreg:$0x1];
	p0 =	sne.s32 s2, $0x0  }
0xca: {  	s3 =	rddreg [dreg:$0x2];
	[bflag:$0x3] =	sbarrier.arrive $0xFFFF;
	s2 =	simm.s32 @!p0 $0x1C05  }
0xcb: {  	[timem:s3], [sflag:s2] =	dma.local @!p0 [hbm:s0], s1  }
0xcc: {  	s0 =	simm.s32 @!p0 $0x5  }
0xcd: {  	_ =	swait.ge @!p0 [sflag:s0], s1  }
0xce: {  	s1 =	ssub.s32 @!p0 $0x0, s1;
	[sflag:s0] =	ssyncset.done @!p0 $0x0  }
0xcf: {  	[sflag:s0] =	ssyncadd.s32 @!p0 s1  }
0xd0: {  	[bflag:$0x3] =	sbarrier.arrive $0xFFFF  }
0xd1: {  	_ =	shalt  }

</sc_bundles>
